<compile_context>
chip_gen: v7x
topology: tpu7x:2x2x1
jax: 0.10.2.dev20260603
libtpu: 0.0.44.dev20260713+nightly
codegen_flags: <defaults>
</compile_context>

<pallas_src>
import dataclasses
import functools

import jax
import jax.numpy as jnp
from jax import lax
from jax.experimental import pallas as pl
from jax.experimental.pallas import tpu as pltpu
from jax.experimental.pallas import tpu_sc as plsc

N_NODES = 10000
N_HE = 10000
NNZ = 320000
D = 128

NC = 2
NS = 16
NW = NC * NS
L = 16
CHUNK = 128
NCHUNK = 80
GRP = 16
NGRP = NCHUNK // GRP
NNZ_PAD = NW * NCHUNK * CHUNK
ACC_ROWS = 10240
SCRAP = 10000
ROWS_PER_TILE = ACC_ROWS // NS
HR = ACC_ROWS // D

PCH = 64
PNCH = NNZ_PAD // (NW * PCH)
PGRP = 32
PNGRP = PNCH // PGRP
NBUF = 4
PQ = PGRP // NBUF
_PZSTEPS = ROWS_PER_TILE // PCH

_mesh = plsc.VectorSubcoreMesh(core_axis_name="c", subcore_axis_name="s")

_cp_no_layout = pltpu.CompilerParams()
if "needs_layout_passes" in pltpu.CompilerParams.__dataclass_fields__:
    _cp_no_layout = dataclasses.replace(_cp_no_layout, needs_layout_passes=False)


@functools.partial(
    pl.kernel,
    out_type=(
        jax.ShapeDtypeStruct((NW, HR, D), jnp.float32),
        jax.ShapeDtypeStruct((NW, HR, D), jnp.float32),
    ),
    mesh=_mesh,
    compiler_params=_cp_no_layout,
    scratch_types=[
        pltpu.VMEM((NCHUNK, CHUNK), jnp.int32),
        pltpu.VMEM((NCHUNK, CHUNK), jnp.int32),
        pltpu.VMEM((HR, D), jnp.float32),
        pltpu.VMEM((HR, D), jnp.float32),
    ],
)
def _sc_counts(es_hbm, vs_hbm, zh_hbm,
               ce_hbm, cv_hbm,
               e_v, v_v, he_v, hv_v):
    c = lax.axis_index("c")
    s = lax.axis_index("s")
    wid = s * NC + c

    pltpu.sync_copy(es_hbm.at[wid], e_v)
    pltpu.sync_copy(vs_hbm.at[wid], v_v)
    pltpu.sync_copy(zh_hbm, he_v)
    pltpu.sync_copy(zh_hbm, hv_v)

    ones = jnp.full((L,), 1.0, jnp.float32)

    @pl.loop(0, NCHUNK)
    def _(j):
        @pl.loop(0, CHUNK // L)
        def _(l):
            ide = e_v[j, pl.ds(l * L, L)]
            plsc.addupdate_scatter(
                he_v, [lax.shift_right_logical(ide, 7),
                       lax.bitwise_and(ide, 127)], ones)
            idv = v_v[j, pl.ds(l * L, L)]
            plsc.addupdate_scatter(
                hv_v, [lax.shift_right_logical(idv, 7),
                       lax.bitwise_and(idv, 127)], ones)

    pltpu.sync_copy(he_v, ce_hbm.at[wid])
    pltpu.sync_copy(hv_v, cv_hbm.at[wid])


@functools.partial(
    pl.kernel,
    out_type=jax.ShapeDtypeStruct((NC, ACC_ROWS, D), jnp.float32),
    mesh=_mesh,
    scratch_types=[
        pltpu.VMEM((PGRP, PCH), jnp.int32),
        pltpu.VMEM((PGRP, PCH), jnp.int32),
        pltpu.VMEM((PCH, D), jnp.float32),
        pltpu.VMEM((PCH, D), jnp.float32),
        pltpu.VMEM((PCH, D), jnp.float32),
        pltpu.VMEM((PCH, D), jnp.float32),
        pltpu.SemaphoreType.DMA,
        pltpu.SemaphoreType.DMA,
        pltpu.SemaphoreType.DMA,
        pltpu.SemaphoreType.DMA,
        pltpu.SemaphoreType.DMA,
        pltpu.VMEM_SHARED((ACC_ROWS, D), jnp.float32),
    ],
)
def _sc_pass(src_hbm, g_hbm, s_hbm, zd_hbm,
             part_hbm,
             g_v, s_v, rows_0, rows_1, rows_2, rows_3,
             sem_0, sem_1, sem_2, sem_3, sem_s, acc_s):
    c = lax.axis_index("c")
    s = lax.axis_index("s")
    wid = s * NC + c
    base = s * ROWS_PER_TILE
    rows = (rows_0, rows_1, rows_2, rows_3)
    sems = (sem_0, sem_1, sem_2, sem_3)

    pltpu.sync_copy(zd_hbm, rows_0)

    @pl.loop(0, _PZSTEPS)
    def _(j):
        pltpu.sync_copy(rows_0, acc_s.at[pl.ds(base + j * PCH, PCH)])

    plsc.subcore_barrier()

    @pl.loop(0, PNGRP)
    def _(g):
        pltpu.sync_copy(g_hbm.at[wid, pl.ds(g * PGRP, PGRP)], g_v)
        pltpu.sync_copy(s_hbm.at[wid, pl.ds(g * PGRP, PGRP)], s_v)

        @pl.loop(0, PQ)
        def _(q):
            @pl.when(q > 0)
            def _():
                for b in range(NBUF):
                    pltpu.make_async_copy(zd_hbm, rows[b], sem_s).wait()

            j0 = q * NBUF
            cps = [
                pltpu.async_copy(src_hbm.at[g_v.at[j0 + b]], rows[b], sems[b])
                for b in range(NBUF)
            ]
            for b in range(NBUF):
                cps[b].wait()
                pltpu.async_copy(rows[b], acc_s.at[s_v.at[j0 + b]], sem_s,
                                 add=True)

        for b in range(NBUF):
            pltpu.make_async_copy(zd_hbm, rows[b], sem_s).wait()

    plsc.subcore_barrier()

    @pl.loop(0, _PZSTEPS)
    def _(j):
        r0 = base + j * PCH
        pltpu.sync_copy(acc_s.at[pl.ds(r0, PCH)], rows_0)
        pltpu.sync_copy(rows_0, part_hbm.at[c, pl.ds(r0, PCH)])


_BLK = 512
_NBLK = ACC_ROWS // _BLK
_HB = _BLK // D


def _norm_body(p_ref, c_ref, o_ref):
    ps = p_ref[0] + p_ref[1]
    cnt = jnp.sum(c_ref[...], axis=1)
    inv = jnp.where(cnt > 0, 1.0 / cnt, 0.0)
    inv_t = inv.T
    inv_col = jnp.concatenate(
        [inv_t[:, g:g + 1] for g in range(_HB)], axis=0)
    o_ref[...] = ps * inv_col


def _combine_normalize(partials, counts):
    return pl.pallas_call(
        _norm_body,
        grid=(_NBLK,),
        in_specs=[
            pl.BlockSpec((NC, _BLK, D), lambda i: (0, i, 0)),
            pl.BlockSpec((_HB, NW, D), lambda i: (i, 0, 0)),
        ],
        out_specs=pl.BlockSpec((_BLK, D), lambda i: (i, 0)),
        out_shape=jax.ShapeDtypeStruct((ACC_ROWS, D), jnp.float32),
    )(partials, counts)


def kernel(x, edge_index):
    V = edge_index[0].astype(jnp.int32)
    E = edge_index[1].astype(jnp.int32)
    pad = NNZ_PAD - NNZ

    z_pad = jnp.zeros((pad,), jnp.int32)
    s_pad = jnp.full((pad,), SCRAP, jnp.int32)
    vg = jnp.concatenate([V, z_pad]).reshape(NW, PNCH, PCH)
    eg = jnp.concatenate([E, z_pad]).reshape(NW, PNCH, PCH)
    es = jnp.concatenate([E, s_pad]).reshape(NW, PNCH, PCH)
    vs = jnp.concatenate([V, s_pad]).reshape(NW, PNCH, PCH)
    es128 = es.reshape(NW, NCHUNK, CHUNK)
    vs128 = vs.reshape(NW, NCHUNK, CHUNK)

    zd = jnp.zeros((PCH, D), jnp.float32)
    zh = jnp.zeros((HR, D), jnp.float32)

    ce, cv = _sc_counts(es128, vs128, zh)
    ce = jnp.transpose(ce, (1, 0, 2))
    cv = jnp.transpose(cv, (1, 0, 2))
    phe = _sc_pass(x, vg, es, zd)
    he_feat = _combine_normalize(phe, ce)
    pout = _sc_pass(he_feat, eg, vs, zd)
    out = _combine_normalize(pout, cv)
    return out[:N_NODES]

# --- scband reference (transcript-rebuilt; emitter-appended) ---
"""Pipeline reference for scband-plain-unigencoder-24670292148519 (READ-ONLY COPY).

The authoritative reference and input builder live on the scoring server;
editing this copy changes nothing except your own understanding.
"""

import jax, jax.numpy as jnp
import numpy as np

THRESHOLD = -3.0
NORM_TYPE = 0
INIT_VAL = 1.0
INIT_TYPE = 0

N_NODES = 10000
N_HYPEREDGES = 10000
N_INCIDENCE = 320000
D_FEAT = 128


def setup_inputs(seed: int = 0) -> dict:
    key = jax.random.key(seed)
    k1, k2, k3 = jax.random.split(key, 3)
    x = jax.random.normal(k1, (N_NODES, D_FEAT), dtype=jnp.float32)
    V = jax.random.randint(k2, (N_INCIDENCE,), 0, N_NODES, dtype=jnp.int64)
    E = jax.random.randint(k3, (N_INCIDENCE,), 0, N_HYPEREDGES, dtype=jnp.int64)
    edge_index = jnp.stack([V, E], axis=0)
    return {"x": x, "edge_index": edge_index}


def reference(x, edge_index):
    # Vectorized, faithful-math version of the threshold < -2 branch with
    # norm_type == 0 (row-normalized Pv, row-normalized PvT).
    # Pv is the (n_hyperedges x n_nodes) incidence matrix with values
    # pv_init_val: 1.0 for members of multi-node hyperedges, INIT_VAL for
    # singleton hyperedges (init_type == 0 path).
    V = edge_index[0]
    E = edge_index[1]
    n_nodes = x.shape[0]
    n_he = N_HYPEREDGES

    ones = jnp.ones(E.shape[0], dtype=jnp.float32)
    edge_size = jax.ops.segment_sum(ones, E, num_segments=n_he)
    pv_values = jnp.where(edge_size[E] == 1.0, jnp.float32(INIT_VAL), 1.0)

    # --- Pv row normalization (norm_type 0): D_e^{-1} Pv ---
    row_sum = jax.ops.segment_sum(pv_values, E, num_segments=n_he)
    inv_row = jnp.where(row_sum > 0, 1.0 / row_sum, 0.0)

    # hyperedge features: (D_e^{-1} Pv) @ x   (gather x[V], scatter-add by E)
    gathered = pv_values[:, None] * x[V]
    he_feat = jax.ops.segment_sum(gathered, E, num_segments=n_he)
    he_feat = he_feat * inv_row[:, None]

    # --- PvT row normalization: D_v^{-1} PvT ---
    vert_sum = jax.ops.segment_sum(pv_values, V, num_segments=n_nodes)
    inv_vert = jnp.where(vert_sum > 0, 1.0 / vert_sum, 0.0)

    # node output: (D_v^{-1} PvT) @ he_feat (gather he_feat[E], scatter-add by V)
    back = pv_values[:, None] * he_feat[E]
    out = jax.ops.segment_sum(back, V, num_segments=n_nodes)
    out = out * inv_vert[:, None]
    return out

if __name__ == "__main__":
    import jax
    _d = setup_inputs()
    print(jax.jit(kernel)(*tuple(_d.values())))

</pallas_src>

<mosaic_0001>
#map = affine_map<(d0, d1) -> (0, 0)>
#map1 = affine_map<(d0, d1) -> (0, 0, 0)>
module attributes {stable_mosaic.version = 14 : i64} {
  func.func @_sc_pass(%arg0: i32, %arg1: i32, %arg2: memref<10240x128xf32, #tpu.memory_space<hbm>>, %arg3: memref<32x160x64xi32, #tpu.memory_space<hbm>>, %arg4: memref<32x160x64xi32, #tpu.memory_space<hbm>>, %arg5: memref<64x128xf32, #tpu.memory_space<hbm>>, %arg6: memref<2x10240x128xf32, #tpu.memory_space<hbm>>, %arg7: memref<32x64xi32, #tpu.memory_space<vmem>>, %arg8: memref<32x64xi32, #tpu.memory_space<vmem>>, %arg9: memref<64x128xf32, #tpu.memory_space<vmem>>, %arg10: memref<64x128xf32, #tpu.memory_space<vmem>>, %arg11: memref<64x128xf32, #tpu.memory_space<vmem>>, %arg12: memref<64x128xf32, #tpu.memory_space<vmem>>, %arg13: memref<!tpu.dma_semaphore, #tpu.memory_space<semaphore_mem>>, %arg14: memref<!tpu.dma_semaphore, #tpu.memory_space<semaphore_mem>>, %arg15: memref<!tpu.dma_semaphore, #tpu.memory_space<semaphore_mem>>, %arg16: memref<!tpu.dma_semaphore, #tpu.memory_space<semaphore_mem>>, %arg17: memref<!tpu.dma_semaphore, #tpu.memory_space<semaphore_mem>>, %arg18: memref<10240x128xf32, #tpu.memory_space<vmem_shared>>) attributes {dimension_semantics = [#tpu.dimension_semantics<core_parallel>, #tpu.dimension_semantics<subcore_parallel>], iteration_bounds = array<i64: 2, 16>, scalar_prefetch = 0 : i64, scratch_operands = 12 : i64, tpu.core_type = #tpu.core_type<sc_vector_subcore>, window_params = [{transform_indices = #map}, {transform_indices = #map1}, {transform_indices = #map1}, {transform_indices = #map}, {transform_indices = #map1}]} {
    %mul3A = arith.constant 2 : i32
    %mul3A_0 = arith.muli %arg1, %mul3A : i32
    %add3A = arith.addi %mul3A_0, %arg0 : i32
    %mul3A_1 = arith.constant 640 : i32
    %mul3A_2 = arith.muli %arg1, %mul3A_1 : i32
    "tpu.region"() ({
      %run_scoped3A = tpu.sem_alloc : memref<!tpu.dma_semaphore, #tpu.memory_space<semaphore_mem>>
      tpu.enqueue_dma source(%arg5 : memref<64x128xf32, #tpu.memory_space<hbm>>) target(%arg9 : memref<64x128xf32, #tpu.memory_space<vmem>>) target_semaphore(%run_scoped3A : memref<!tpu.dma_semaphore, #tpu.memory_space<semaphore_mem>>)
      tpu.wait_dma2 semaphore(%run_scoped3A : memref<!tpu.dma_semaphore, #tpu.memory_space<semaphore_mem>>) src(%arg5 : memref<64x128xf32, #tpu.memory_space<hbm>>) dst(%arg9 : memref<64x128xf32, #tpu.memory_space<vmem>>)
      tpu.yield
    }) : () -> ()
    %scan3A = arith.constant 0 : i32
    %scan3A_3 = arith.constant 10 : i32
    %scan3A_4 = arith.addi %scan3A, %scan3A_3 : i32
    %scan3A_5 = arith.constant 1 : i32
    scf.for %scan3A_18 = %scan3A to %scan3A_4 step %scan3A_5  : i32 {
      %mul3A_19 = arith.constant 1 : i32
      %mul3A_20 = arith.muli %scan3A_18, %mul3A_19 : i32
      %add3A_21 = arith.constant 0 : i32
      %add3A_22 = arith.addi %add3A_21, %mul3A_20 : i32
      %mul3A_23 = arith.constant 64 : i32
      %mul3A_24 = arith.muli %add3A_22, %mul3A_23 : i32
      %add3A_25 = arith.addi %mul3A_2, %mul3A_24 : i32
      "tpu.region"() ({
        %run_scoped3A = tpu.sem_alloc : memref<!tpu.dma_semaphore, #tpu.memory_space<semaphore_mem>>
        %dma_start3A = arith.constant 0 : i32
        %dma_start3A_26 = tpu.memref_slice %arg18[%add3A_25, %dma_start3A] : memref<10240x128xf32, #tpu.memory_space<vmem_shared>> -> memref<64x128xf32, #tpu.memory_space<vmem_shared>>
        %dma_start3A_27 = arith.constant 0 : i32
        %dma_start3A_28 = tpu.memref_slice %arg18[%add3A_25, %dma_start3A_27] : memref<10240x128xf32, #tpu.memory_space<vmem_shared>> -> memref<64x128xf32, #tpu.memory_space<vmem_shared>>
        tpu.enqueue_dma source(%arg9 : memref<64x128xf32, #tpu.memory_space<vmem>>) target(%dma_start3A_28 : memref<64x128xf32, #tpu.memory_space<vmem_shared>>) target_semaphore(%run_scoped3A : memref<!tpu.dma_semaphore, #tpu.memory_space<semaphore_mem>>)
        %dma_wait3A = arith.constant 0 : i32
        %dma_wait3A_29 = tpu.memref_slice %arg18[%add3A_25, %dma_wait3A] : memref<10240x128xf32, #tpu.memory_space<vmem_shared>> -> memref<64x128xf32, #tpu.memory_space<vmem_shared>>
        %dma_wait3A_30 = arith.constant 0 : i32
        %dma_wait3A_31 = tpu.memref_slice %arg18[%add3A_25, %dma_wait3A_30] : memref<10240x128xf32, #tpu.memory_space<vmem_shared>> -> memref<64x128xf32, #tpu.memory_space<vmem_shared>>
        tpu.wait_dma2 semaphore(%run_scoped3A : memref<!tpu.dma_semaphore, #tpu.memory_space<semaphore_mem>>) src(%arg9 : memref<64x128xf32, #tpu.memory_space<vmem>>) dst(%dma_wait3A_31 : memref<64x128xf32, #tpu.memory_space<vmem_shared>>)
        tpu.yield
      }) : () -> ()
    }
    %scan3A_6 = arith.constant 10 : i32
    %barrier3A = arith.constant 0 : index
    tpu.barrier barrier_id(%barrier3A)
    %scan3A_7 = arith.constant 0 : i32
    %scan3A_8 = arith.constant 5 : i32
    %scan3A_9 = arith.addi %scan3A_7, %scan3A_8 : i32
    %scan3A_10 = arith.constant 1 : i32
    scf.for %scan3A_18 = %scan3A_7 to %scan3A_9 step %scan3A_10  : i32 {
      %mul3A_19 = arith.constant 1 : i32
      %mul3A_20 = arith.muli %scan3A_18, %mul3A_19 : i32
      %add3A_21 = arith.constant 0 : i32
      %add3A_22 = arith.addi %add3A_21, %mul3A_20 : i32
      %mul3A_23 = arith.constant 32 : i32
      %mul3A_24 = arith.muli %add3A_22, %mul3A_23 : i32
      "tpu.region"() ({
        %run_scoped3A = tpu.sem_alloc : memref<!tpu.dma_semaphore, #tpu.memory_space<semaphore_mem>>
        %dma_start3A = arith.constant 0 : i32
        %dma_start3A_32 = tpu.memref_slice %arg3[%add3A, %mul3A_24, %dma_start3A] : memref<32x160x64xi32, #tpu.memory_space<hbm>> -> memref<1x32x64xi32, #tpu.memory_space<hbm>>
        %dma_start3A_33 = tpu.memref_squeeze %dma_start3A_32 : memref<1x32x64xi32, #tpu.memory_space<hbm>> -> memref<32x64xi32, #tpu.memory_space<hbm>>
        %dma_start3A_34 = arith.constant 0 : i32
        %dma_start3A_35 = tpu.memref_slice %arg3[%add3A, %mul3A_24, %dma_start3A_34] : memref<32x160x64xi32, #tpu.memory_space<hbm>> -> memref<1x32x64xi32, #tpu.memory_space<hbm>>
        %dma_start3A_36 = tpu.memref_squeeze %dma_start3A_35 : memref<1x32x64xi32, #tpu.memory_space<hbm>> -> memref<32x64xi32, #tpu.memory_space<hbm>>
        tpu.enqueue_dma source(%dma_start3A_36 : memref<32x64xi32, #tpu.memory_space<hbm>>) target(%arg7 : memref<32x64xi32, #tpu.memory_space<vmem>>) target_semaphore(%run_scoped3A : memref<!tpu.dma_semaphore, #tpu.memory_space<semaphore_mem>>)
        %dma_wait3A = arith.constant 0 : i32
        %dma_wait3A_37 = tpu.memref_slice %arg3[%add3A, %mul3A_24, %dma_wait3A] : memref<32x160x64xi32, #tpu.memory_space<hbm>> -> memref<1x32x64xi32, #tpu.memory_space<hbm>>
        %dma_wait3A_38 = tpu.memref_squeeze %dma_wait3A_37 : memref<1x32x64xi32, #tpu.memory_space<hbm>> -> memref<32x64xi32, #tpu.memory_space<hbm>>
        %dma_wait3A_39 = arith.constant 0 : i32
        %dma_wait3A_40 = tpu.memref_slice %arg3[%add3A, %mul3A_24, %dma_wait3A_39] : memref<32x160x64xi32, #tpu.memory_space<hbm>> -> memref<1x32x64xi32, #tpu.memory_space<hbm>>
        %dma_wait3A_41 = tpu.memref_squeeze %dma_wait3A_40 : memref<1x32x64xi32, #tpu.memory_space<hbm>> -> memref<32x64xi32, #tpu.memory_space<hbm>>
        tpu.wait_dma2 semaphore(%run_scoped3A : memref<!tpu.dma_semaphore, #tpu.memory_space<semaphore_mem>>) src(%dma_wait3A_41 : memref<32x64xi32, #tpu.memory_space<hbm>>) dst(%arg7 : memref<32x64xi32, #tpu.memory_space<vmem>>)
        tpu.yield
      }) : () -> ()
      %mul3A_25 = arith.constant 32 : i32
      %mul3A_26 = arith.muli %add3A_22, %mul3A_25 : i32
      "tpu.region"() ({
        %run_scoped3A = tpu.sem_alloc : memref<!tpu.dma_semaphore, #tpu.memory_space<semaphore_mem>>
        %dma_start3A = arith.constant 0 : i32
        %dma_start3A_32 = tpu.memref_slice %arg4[%add3A, %mul3A_26, %dma_start3A] : memref<32x160x64xi32, #tpu.memory_space<hbm>> -> memref<1x32x64xi32, #tpu.memory_space<hbm>>
        %dma_start3A_33 = tpu.memref_squeeze %dma_start3A_32 : memref<1x32x64xi32, #tpu.memory_space<hbm>> -> memref<32x64xi32, #tpu.memory_space<hbm>>
        %dma_start3A_34 = arith.constant 0 : i32
        %dma_start3A_35 = tpu.memref_slice %arg4[%add3A, %mul3A_26, %dma_start3A_34] : memref<32x160x64xi32, #tpu.memory_space<hbm>> -> memref<1x32x64xi32, #tpu.memory_space<hbm>>
        %dma_start3A_36 = tpu.memref_squeeze %dma_start3A_35 : memref<1x32x64xi32, #tpu.memory_space<hbm>> -> memref<32x64xi32, #tpu.memory_space<hbm>>
        tpu.enqueue_dma source(%dma_start3A_36 : memref<32x64xi32, #tpu.memory_space<hbm>>) target(%arg8 : memref<32x64xi32, #tpu.memory_space<vmem>>) target_semaphore(%run_scoped3A : memref<!tpu.dma_semaphore, #tpu.memory_space<semaphore_mem>>)
        %dma_wait3A = arith.constant 0 : i32
        %dma_wait3A_37 = tpu.memref_slice %arg4[%add3A, %mul3A_26, %dma_wait3A] : memref<32x160x64xi32, #tpu.memory_space<hbm>> -> memref<1x32x64xi32, #tpu.memory_space<hbm>>
        %dma_wait3A_38 = tpu.memref_squeeze %dma_wait3A_37 : memref<1x32x64xi32, #tpu.memory_space<hbm>> -> memref<32x64xi32, #tpu.memory_space<hbm>>
        %dma_wait3A_39 = arith.constant 0 : i32
        %dma_wait3A_40 = tpu.memref_slice %arg4[%add3A, %mul3A_26, %dma_wait3A_39] : memref<32x160x64xi32, #tpu.memory_space<hbm>> -> memref<1x32x64xi32, #tpu.memory_space<hbm>>
        %dma_wait3A_41 = tpu.memref_squeeze %dma_wait3A_40 : memref<1x32x64xi32, #tpu.memory_space<hbm>> -> memref<32x64xi32, #tpu.memory_space<hbm>>
        tpu.wait_dma2 semaphore(%run_scoped3A : memref<!tpu.dma_semaphore, #tpu.memory_space<semaphore_mem>>) src(%dma_wait3A_41 : memref<32x64xi32, #tpu.memory_space<hbm>>) dst(%arg8 : memref<32x64xi32, #tpu.memory_space<vmem>>)
        tpu.yield
      }) : () -> ()
      %scan3A_27 = arith.constant 0 : i32
      %scan3A_28 = arith.constant 8 : i32
      %scan3A_29 = arith.addi %scan3A_27, %scan3A_28 : i32
      %scan3A_30 = arith.constant 1 : i32
      scf.for %scan3A_32 = %scan3A_27 to %scan3A_29 step %scan3A_30  : i32 {
        %mul3A_33 = arith.constant 1 : i32
        %mul3A_34 = arith.muli %scan3A_32, %mul3A_33 : i32
        %add3A_35 = arith.constant 0 : i32
        %add3A_36 = arith.addi %add3A_35, %mul3A_34 : i32
        %gt3A = arith.constant 0 : i32
        %gt3A_37 = arith.cmpi sgt, %add3A_36, %gt3A : i32
        %convert_element_type3A = arith.extui %gt3A_37 : i1 to i32
        %cond3A = arith.constant 0 : i32
        %cond3A_38 = arith.cmpi ne, %convert_element_type3A, %cond3A : i32
        scf.if %cond3A_38 {
          tpu.wait_dma2 semaphore(%arg17 : memref<!tpu.dma_semaphore, #tpu.memory_space<semaphore_mem>>) src(%arg5 : memref<64x128xf32, #tpu.memory_space<hbm>>) dst(%arg9 : memref<64x128xf32, #tpu.memory_space<vmem>>)
          tpu.wait_dma2 semaphore(%arg17 : memref<!tpu.dma_semaphore, #tpu.memory_space<semaphore_mem>>) src(%arg5 : memref<64x128xf32, #tpu.memory_space<hbm>>) dst(%arg10 : memref<64x128xf32, #tpu.memory_space<vmem>>)
          tpu.wait_dma2 semaphore(%arg17 : memref<!tpu.dma_semaphore, #tpu.memory_space<semaphore_mem>>) src(%arg5 : memref<64x128xf32, #tpu.memory_space<hbm>>) dst(%arg11 : memref<64x128xf32, #tpu.memory_space<vmem>>)
          tpu.wait_dma2 semaphore(%arg17 : memref<!tpu.dma_semaphore, #tpu.memory_space<semaphore_mem>>) src(%arg5 : memref<64x128xf32, #tpu.memory_space<hbm>>) dst(%arg12 : memref<64x128xf32, #tpu.memory_space<vmem>>)
        } else {
        }
        %mul3A_39 = arith.constant 4 : i32
        %mul3A_40 = arith.muli %add3A_36, %mul3A_39 : i32
        %add3A_41 = arith.constant 0 : i32
        %add3A_42 = arith.addi %mul3A_40, %add3A_41 : i32
        %dma_start3A = arith.constant 0 : i32
        %dma_start3A_43 = tpu.memref_slice %arg7[%add3A_42, %dma_start3A] : memref<32x64xi32, #tpu.memory_space<vmem>> -> memref<1x64xi32, #tpu.memory_space<vmem>>
        %dma_start3A_44 = tpu.memref_squeeze %dma_start3A_43 : memref<1x64xi32, #tpu.memory_space<vmem>> -> memref<64xi32, #tpu.memory_space<vmem>>
        %dma_start3A_45 = arith.constant 0 : i32
        %dma_start3A_46 = arith.constant 0 : i32
        %dma_start3A_47 = tpu.memref_slice %arg2[%dma_start3A_45, %dma_start3A_46] : memref<10240x128xf32, #tpu.memory_space<hbm>> -> memref<10240x128xf32, #tpu.memory_space<hbm>>
        tpu.enqueue_indirect_dma source(%dma_start3A_47 : memref<10240x128xf32, #tpu.memory_space<hbm>>) target(%arg9 : memref<64x128xf32, #tpu.memory_space<vmem>>) offsets(%dma_start3A_44 : memref<64xi32, #tpu.memory_space<vmem>>) semaphore(%arg13 : memref<!tpu.dma_semaphore, #tpu.memory_space<semaphore_mem>>)
        %add3A_48 = arith.constant 1 : i32
        %add3A_49 = arith.addi %mul3A_40, %add3A_48 : i32
        %dma_start3A_50 = arith.constant 0 : i32
        %dma_start3A_51 = tpu.memref_slice %arg7[%add3A_49, %dma_start3A_50] : memref<32x64xi32, #tpu.memory_space<vmem>> -> memref<1x64xi32, #tpu.memory_space<vmem>>
        %dma_start3A_52 = tpu.memref_squeeze %dma_start3A_51 : memref<1x64xi32, #tpu.memory_space<vmem>> -> memref<64xi32, #tpu.memory_space<vmem>>
        %dma_start3A_53 = arith.constant 0 : i32
        %dma_start3A_54 = arith.constant 0 : i32
        %dma_start3A_55 = tpu.memref_slice %arg2[%dma_start3A_53, %dma_start3A_54] : memref<10240x128xf32, #tpu.memory_space<hbm>> -> memref<10240x128xf32, #tpu.memory_space<hbm>>
        tpu.enqueue_indirect_dma source(%dma_start3A_55 : memref<10240x128xf32, #tpu.memory_space<hbm>>) target(%arg10 : memref<64x128xf32, #tpu.memory_space<vmem>>) offsets(%dma_start3A_52 : memref<64xi32, #tpu.memory_space<vmem>>) semaphore(%arg14 : memref<!tpu.dma_semaphore, #tpu.memory_space<semaphore_mem>>)
        %add3A_56 = arith.constant 2 : i32
        %add3A_57 = arith.addi %mul3A_40, %add3A_56 : i32
        %dma_start3A_58 = arith.constant 0 : i32
        %dma_start3A_59 = tpu.memref_slice %arg7[%add3A_57, %dma_start3A_58] : memref<32x64xi32, #tpu.memory_space<vmem>> -> memref<1x64xi32, #tpu.memory_space<vmem>>
        %dma_start3A_60 = tpu.memref_squeeze %dma_start3A_59 : memref<1x64xi32, #tpu.memory_space<vmem>> -> memref<64xi32, #tpu.memory_space<vmem>>
        %dma_start3A_61 = arith.constant 0 : i32
        %dma_start3A_62 = arith.constant 0 : i32
        %dma_start3A_63 = tpu.memref_slice %arg2[%dma_start3A_61, %dma_start3A_62] : memref<10240x128xf32, #tpu.memory_space<hbm>> -> memref<10240x128xf32, #tpu.memory_space<hbm>>
        tpu.enqueue_indirect_dma source(%dma_start3A_63 : memref<10240x128xf32, #tpu.memory_space<hbm>>) target(%arg11 : memref<64x128xf32, #tpu.memory_space<vmem>>) offsets(%dma_start3A_60 : memref<64xi32, #tpu.memory_space<vmem>>) semaphore(%arg15 : memref<!tpu.dma_semaphore, #tpu.memory_space<semaphore_mem>>)
        %add3A_64 = arith.constant 3 : i32
        %add3A_65 = arith.addi %mul3A_40, %add3A_64 : i32
        %dma_start3A_66 = arith.constant 0 : i32
        %dma_start3A_67 = tpu.memref_slice %arg7[%add3A_65, %dma_start3A_66] : memref<32x64xi32, #tpu.memory_space<vmem>> -> memref<1x64xi32, #tpu.memory_space<vmem>>
        %dma_start3A_68 = tpu.memref_squeeze %dma_start3A_67 : memref<1x64xi32, #tpu.memory_space<vmem>> -> memref<64xi32, #tpu.memory_space<vmem>>
        %dma_start3A_69 = arith.constant 0 : i32
        %dma_start3A_70 = arith.constant 0 : i32
        %dma_start3A_71 = tpu.memref_slice %arg2[%dma_start3A_69, %dma_start3A_70] : memref<10240x128xf32, #tpu.memory_space<hbm>> -> memref<10240x128xf32, #tpu.memory_space<hbm>>
        tpu.enqueue_indirect_dma source(%dma_start3A_71 : memref<10240x128xf32, #tpu.memory_space<hbm>>) target(%arg12 : memref<64x128xf32, #tpu.memory_space<vmem>>) offsets(%dma_start3A_68 : memref<64xi32, #tpu.memory_space<vmem>>) semaphore(%arg16 : memref<!tpu.dma_semaphore, #tpu.memory_space<semaphore_mem>>)
        %dma_wait3A = arith.constant 0 : i32
        %dma_wait3A_72 = tpu.memref_slice %arg7[%add3A_42, %dma_wait3A] : memref<32x64xi32, #tpu.memory_space<vmem>> -> memref<1x64xi32, #tpu.memory_space<vmem>>
        %dma_wait3A_73 = tpu.memref_squeeze %dma_wait3A_72 : memref<1x64xi32, #tpu.memory_space<vmem>> -> memref<64xi32, #tpu.memory_space<vmem>>
        %dma_wait3A_74 = arith.constant 0 : i32
        %dma_wait3A_75 = arith.constant 0 : i32
        %dma_wait3A_76 = tpu.memref_slice %arg2[%dma_wait3A_74, %dma_wait3A_75] : memref<10240x128xf32, #tpu.memory_space<hbm>> -> memref<10240x128xf32, #tpu.memory_space<hbm>>
        tpu.wait_indirect_dma semaphore(%arg13 : memref<!tpu.dma_semaphore, #tpu.memory_space<semaphore_mem>>) src(%dma_wait3A_76 : memref<10240x128xf32, #tpu.memory_space<hbm>>) dst(%arg9 : memref<64x128xf32, #tpu.memory_space<vmem>>)
        %add3A_77 = arith.constant 0 : i32
        %add3A_78 = arith.addi %mul3A_40, %add3A_77 : i32
        %dma_start3A_79 = arith.constant 0 : i32
        %dma_start3A_80 = tpu.memref_slice %arg8[%add3A_78, %dma_start3A_79] : memref<32x64xi32, #tpu.memory_space<vmem>> -> memref<1x64xi32, #tpu.memory_space<vmem>>
        %dma_start3A_81 = tpu.memref_squeeze %dma_start3A_80 : memref<1x64xi32, #tpu.memory_space<vmem>> -> memref<64xi32, #tpu.memory_space<vmem>>
        %dma_start3A_82 = arith.constant 0 : i32
        %dma_start3A_83 = arith.constant 0 : i32
        %dma_start3A_84 = tpu.memref_slice %arg18[%dma_start3A_82, %dma_start3A_83] : memref<10240x128xf32, #tpu.memory_space<vmem_shared>> -> memref<10240x128xf32, #tpu.memory_space<vmem_shared>>
        tpu.enqueue_indirect_dma source(%arg9 : memref<64x128xf32, #tpu.memory_space<vmem>>) target(%dma_start3A_84 : memref<10240x128xf32, #tpu.memory_space<vmem_shared>>) offsets(%dma_start3A_81 : memref<64xi32, #tpu.memory_space<vmem>>) semaphore(%arg17 : memref<!tpu.dma_semaphore, #tpu.memory_space<semaphore_mem>>) {add = true}
        %dma_wait3A_85 = arith.constant 0 : i32
        %dma_wait3A_86 = tpu.memref_slice %arg7[%add3A_49, %dma_wait3A_85] : memref<32x64xi32, #tpu.memory_space<vmem>> -> memref<1x64xi32, #tpu.memory_space<vmem>>
        %dma_wait3A_87 = tpu.memref_squeeze %dma_wait3A_86 : memref<1x64xi32, #tpu.memory_space<vmem>> -> memref<64xi32, #tpu.memory_space<vmem>>
        %dma_wait3A_88 = arith.constant 0 : i32
        %dma_wait3A_89 = arith.constant 0 : i32
        %dma_wait3A_90 = tpu.memref_slice %arg2[%dma_wait3A_88, %dma_wait3A_89] : memref<10240x128xf32, #tpu.memory_space<hbm>> -> memref<10240x128xf32, #tpu.memory_space<hbm>>
        tpu.wait_indirect_dma semaphore(%arg14 : memref<!tpu.dma_semaphore, #tpu.memory_space<semaphore_mem>>) src(%dma_wait3A_90 : memref<10240x128xf32, #tpu.memory_space<hbm>>) dst(%arg10 : memref<64x128xf32, #tpu.memory_space<vmem>>)
        %add3A_91 = arith.constant 1 : i32
        %add3A_92 = arith.addi %mul3A_40, %add3A_91 : i32
        %dma_start3A_93 = arith.constant 0 : i32
        %dma_start3A_94 = tpu.memref_slice %arg8[%add3A_92, %dma_start3A_93] : memref<32x64xi32, #tpu.memory_space<vmem>> -> memref<1x64xi32, #tpu.memory_space<vmem>>
        %dma_start3A_95 = tpu.memref_squeeze %dma_start3A_94 : memref<1x64xi32, #tpu.memory_space<vmem>> -> memref<64xi32, #tpu.memory_space<vmem>>
        %dma_start3A_96 = arith.constant 0 : i32
        %dma_start3A_97 = arith.constant 0 : i32
        %dma_start3A_98 = tpu.memref_slice %arg18[%dma_start3A_96, %dma_start3A_97] : memref<10240x128xf32, #tpu.memory_space<vmem_shared>> -> memref<10240x128xf32, #tpu.memory_space<vmem_shared>>
        tpu.enqueue_indirect_dma source(%arg10 : memref<64x128xf32, #tpu.memory_space<vmem>>) target(%dma_start3A_98 : memref<10240x128xf32, #tpu.memory_space<vmem_shared>>) offsets(%dma_start3A_95 : memref<64xi32, #tpu.memory_space<vmem>>) semaphore(%arg17 : memref<!tpu.dma_semaphore, #tpu.memory_space<semaphore_mem>>) {add = true}
        %dma_wait3A_99 = arith.constant 0 : i32
        %dma_wait3A_100 = tpu.memref_slice %arg7[%add3A_57, %dma_wait3A_99] : memref<32x64xi32, #tpu.memory_space<vmem>> -> memref<1x64xi32, #tpu.memory_space<vmem>>
        %dma_wait3A_101 = tpu.memref_squeeze %dma_wait3A_100 : memref<1x64xi32, #tpu.memory_space<vmem>> -> memref<64xi32, #tpu.memory_space<vmem>>
        %dma_wait3A_102 = arith.constant 0 : i32
        %dma_wait3A_103 = arith.constant 0 : i32
        %dma_wait3A_104 = tpu.memref_slice %arg2[%dma_wait3A_102, %dma_wait3A_103] : memref<10240x128xf32, #tpu.memory_space<hbm>> -> memref<10240x128xf32, #tpu.memory_space<hbm>>
        tpu.wait_indirect_dma semaphore(%arg15 : memref<!tpu.dma_semaphore, #tpu.memory_space<semaphore_mem>>) src(%dma_wait3A_104 : memref<10240x128xf32, #tpu.memory_space<hbm>>) dst(%arg11 : memref<64x128xf32, #tpu.memory_space<vmem>>)
        %add3A_105 = arith.constant 2 : i32
        %add3A_106 = arith.addi %mul3A_40, %add3A_105 : i32
        %dma_start3A_107 = arith.constant 0 : i32
        %dma_start3A_108 = tpu.memref_slice %arg8[%add3A_106, %dma_start3A_107] : memref<32x64xi32, #tpu.memory_space<vmem>> -> memref<1x64xi32, #tpu.memory_space<vmem>>
        %dma_start3A_109 = tpu.memref_squeeze %dma_start3A_108 : memref<1x64xi32, #tpu.memory_space<vmem>> -> memref<64xi32, #tpu.memory_space<vmem>>
        %dma_start3A_110 = arith.constant 0 : i32
        %dma_start3A_111 = arith.constant 0 : i32
        %dma_start3A_112 = tpu.memref_slice %arg18[%dma_start3A_110, %dma_start3A_111] : memref<10240x128xf32, #tpu.memory_space<vmem_shared>> -> memref<10240x128xf32, #tpu.memory_space<vmem_shared>>
        tpu.enqueue_indirect_dma source(%arg11 : memref<64x128xf32, #tpu.memory_space<vmem>>) target(%dma_start3A_112 : memref<10240x128xf32, #tpu.memory_space<vmem_shared>>) offsets(%dma_start3A_109 : memref<64xi32, #tpu.memory_space<vmem>>) semaphore(%arg17 : memref<!tpu.dma_semaphore, #tpu.memory_space<semaphore_mem>>) {add = true}
        %dma_wait3A_113 = arith.constant 0 : i32
        %dma_wait3A_114 = tpu.memref_slice %arg7[%add3A_65, %dma_wait3A_113] : memref<32x64xi32, #tpu.memory_space<vmem>> -> memref<1x64xi32, #tpu.memory_space<vmem>>
        %dma_wait3A_115 = tpu.memref_squeeze %dma_wait3A_114 : memref<1x64xi32, #tpu.memory_space<vmem>> -> memref<64xi32, #tpu.memory_space<vmem>>
        %dma_wait3A_116 = arith.constant 0 : i32
        %dma_wait3A_117 = arith.constant 0 : i32
        %dma_wait3A_118 = tpu.memref_slice %arg2[%dma_wait3A_116, %dma_wait3A_117] : memref<10240x128xf32, #tpu.memory_space<hbm>> -> memref<10240x128xf32, #tpu.memory_space<hbm>>
        tpu.wait_indirect_dma semaphore(%arg16 : memref<!tpu.dma_semaphore, #tpu.memory_space<semaphore_mem>>) src(%dma_wait3A_118 : memref<10240x128xf32, #tpu.memory_space<hbm>>) dst(%arg12 : memref<64x128xf32, #tpu.memory_space<vmem>>)
        %add3A_119 = arith.constant 3 : i32
        %add3A_120 = arith.addi %mul3A_40, %add3A_119 : i32
        %dma_start3A_121 = arith.constant 0 : i32
        %dma_start3A_122 = tpu.memref_slice %arg8[%add3A_120, %dma_start3A_121] : memref<32x64xi32, #tpu.memory_space<vmem>> -> memref<1x64xi32, #tpu.memory_space<vmem>>
        %dma_start3A_123 = tpu.memref_squeeze %dma_start3A_122 : memref<1x64xi32, #tpu.memory_space<vmem>> -> memref<64xi32, #tpu.memory_space<vmem>>
        %dma_start3A_124 = arith.constant 0 : i32
        %dma_start3A_125 = arith.constant 0 : i32
        %dma_start3A_126 = tpu.memref_slice %arg18[%dma_start3A_124, %dma_start3A_125] : memref<10240x128xf32, #tpu.memory_space<vmem_shared>> -> memref<10240x128xf32, #tpu.memory_space<vmem_shared>>
        tpu.enqueue_indirect_dma source(%arg12 : memref<64x128xf32, #tpu.memory_space<vmem>>) target(%dma_start3A_126 : memref<10240x128xf32, #tpu.memory_space<vmem_shared>>) offsets(%dma_start3A_123 : memref<64xi32, #tpu.memory_space<vmem>>) semaphore(%arg17 : memref<!tpu.dma_semaphore, #tpu.memory_space<semaphore_mem>>) {add = true}
      }
      %scan3A_31 = arith.constant 8 : i32
      tpu.wait_dma2 semaphore(%arg17 : memref<!tpu.dma_semaphore, #tpu.memory_space<semaphore_mem>>) src(%arg5 : memref<64x128xf32, #tpu.memory_space<hbm>>) dst(%arg9 : memref<64x128xf32, #tpu.memory_space<vmem>>)
      tpu.wait_dma2 semaphore(%arg17 : memref<!tpu.dma_semaphore, #tpu.memory_space<semaphore_mem>>) src(%arg5 : memref<64x128xf32, #tpu.memory_space<hbm>>) dst(%arg10 : memref<64x128xf32, #tpu.memory_space<vmem>>)
      tpu.wait_dma2 semaphore(%arg17 : memref<!tpu.dma_semaphore, #tpu.memory_space<semaphore_mem>>) src(%arg5 : memref<64x128xf32, #tpu.memory_space<hbm>>) dst(%arg11 : memref<64x128xf32, #tpu.memory_space<vmem>>)
      tpu.wait_dma2 semaphore(%arg17 : memref<!tpu.dma_semaphore, #tpu.memory_space<semaphore_mem>>) src(%arg5 : memref<64x128xf32, #tpu.memory_space<hbm>>) dst(%arg12 : memref<64x128xf32, #tpu.memory_space<vmem>>)
    }
    %scan3A_11 = arith.constant 5 : i32
    %barrier3A_12 = arith.constant 0 : index
    tpu.barrier barrier_id(%barrier3A_12)
    %scan3A_13 = arith.constant 0 : i32
    %scan3A_14 = arith.constant 10 : i32
    %scan3A_15 = arith.addi %scan3A_13, %scan3A_14 : i32
    %scan3A_16 = arith.constant 1 : i32
    scf.for %scan3A_18 = %scan3A_13 to %scan3A_15 step %scan3A_16  : i32 {
      %mul3A_19 = arith.constant 1 : i32
      %mul3A_20 = arith.muli %scan3A_18, %mul3A_19 : i32
      %add3A_21 = arith.constant 0 : i32
      %add3A_22 = arith.addi %add3A_21, %mul3A_20 : i32
      %mul3A_23 = arith.constant 64 : i32
      %mul3A_24 = arith.muli %add3A_22, %mul3A_23 : i32
      %add3A_25 = arith.addi %mul3A_2, %mul3A_24 : i32
      "tpu.region"() ({
        %run_scoped3A = tpu.sem_alloc : memref<!tpu.dma_semaphore, #tpu.memory_space<semaphore_mem>>
        %dma_start3A = arith.constant 0 : i32
        %dma_start3A_26 = tpu.memref_slice %arg18[%add3A_25, %dma_start3A] : memref<10240x128xf32, #tpu.memory_space<vmem_shared>> -> memref<64x128xf32, #tpu.memory_space<vmem_shared>>
        %dma_start3A_27 = arith.constant 0 : i32
        %dma_start3A_28 = tpu.memref_slice %arg18[%add3A_25, %dma_start3A_27] : memref<10240x128xf32, #tpu.memory_space<vmem_shared>> -> memref<64x128xf32, #tpu.memory_space<vmem_shared>>
        tpu.enqueue_dma source(%dma_start3A_28 : memref<64x128xf32, #tpu.memory_space<vmem_shared>>) target(%arg9 : memref<64x128xf32, #tpu.memory_space<vmem>>) target_semaphore(%run_scoped3A : memref<!tpu.dma_semaphore, #tpu.memory_space<semaphore_mem>>)
        %dma_wait3A = arith.constant 0 : i32
        %dma_wait3A_29 = tpu.memref_slice %arg18[%add3A_25, %dma_wait3A] : memref<10240x128xf32, #tpu.memory_space<vmem_shared>> -> memref<64x128xf32, #tpu.memory_space<vmem_shared>>
        %dma_wait3A_30 = arith.constant 0 : i32
        %dma_wait3A_31 = tpu.memref_slice %arg18[%add3A_25, %dma_wait3A_30] : memref<10240x128xf32, #tpu.memory_space<vmem_shared>> -> memref<64x128xf32, #tpu.memory_space<vmem_shared>>
        tpu.wait_dma2 semaphore(%run_scoped3A : memref<!tpu.dma_semaphore, #tpu.memory_space<semaphore_mem>>) src(%dma_wait3A_31 : memref<64x128xf32, #tpu.memory_space<vmem_shared>>) dst(%arg9 : memref<64x128xf32, #tpu.memory_space<vmem>>)
        tpu.yield
      }) : () -> ()
      "tpu.region"() ({
        %run_scoped3A = tpu.sem_alloc : memref<!tpu.dma_semaphore, #tpu.memory_space<semaphore_mem>>
        %dma_start3A = arith.constant 0 : i32
        %dma_start3A_26 = tpu.memref_slice %arg6[%arg0, %add3A_25, %dma_start3A] : memref<2x10240x128xf32, #tpu.memory_space<hbm>> -> memref<1x64x128xf32, #tpu.memory_space<hbm>>
        %dma_start3A_27 = tpu.memref_squeeze %dma_start3A_26 : memref<1x64x128xf32, #tpu.memory_space<hbm>> -> memref<64x128xf32, #tpu.memory_space<hbm>>
        %dma_start3A_28 = arith.constant 0 : i32
        %dma_start3A_29 = tpu.memref_slice %arg6[%arg0, %add3A_25, %dma_start3A_28] : memref<2x10240x128xf32, #tpu.memory_space<hbm>> -> memref<1x64x128xf32, #tpu.memory_space<hbm>>
        %dma_start3A_30 = tpu.memref_squeeze %dma_start3A_29 : memref<1x64x128xf32, #tpu.memory_space<hbm>> -> memref<64x128xf32, #tpu.memory_space<hbm>>
        tpu.enqueue_dma source(%arg9 : memref<64x128xf32, #tpu.memory_space<vmem>>) target(%dma_start3A_30 : memref<64x128xf32, #tpu.memory_space<hbm>>) target_semaphore(%run_scoped3A : memref<!tpu.dma_semaphore, #tpu.memory_space<semaphore_mem>>)
        %dma_wait3A = arith.constant 0 : i32
        %dma_wait3A_31 = tpu.memref_slice %arg6[%arg0, %add3A_25, %dma_wait3A] : memref<2x10240x128xf32, #tpu.memory_space<hbm>> -> memref<1x64x128xf32, #tpu.memory_space<hbm>>
        %dma_wait3A_32 = tpu.memref_squeeze %dma_wait3A_31 : memref<1x64x128xf32, #tpu.memory_space<hbm>> -> memref<64x128xf32, #tpu.memory_space<hbm>>
        %dma_wait3A_33 = arith.constant 0 : i32
        %dma_wait3A_34 = tpu.memref_slice %arg6[%arg0, %add3A_25, %dma_wait3A_33] : memref<2x10240x128xf32, #tpu.memory_space<hbm>> -> memref<1x64x128xf32, #tpu.memory_space<hbm>>
        %dma_wait3A_35 = tpu.memref_squeeze %dma_wait3A_34 : memref<1x64x128xf32, #tpu.memory_space<hbm>> -> memref<64x128xf32, #tpu.memory_space<hbm>>
        tpu.wait_dma2 semaphore(%run_scoped3A : memref<!tpu.dma_semaphore, #tpu.memory_space<semaphore_mem>>) src(%arg9 : memref<64x128xf32, #tpu.memory_space<vmem>>) dst(%dma_wait3A_35 : memref<64x128xf32, #tpu.memory_space<hbm>>)
        tpu.yield
      }) : () -> ()
    }
    %scan3A_17 = arith.constant 10 : i32
    return
  }
}

#map = affine_map<(d0, d1) -> (0, 0, 0)>
#map1 = affine_map<(d0, d1) -> (0, 0)>
module attributes {stable_mosaic.version = 14 : i64} {
  func.func @_sc_counts(%arg0: i32, %arg1: i32, %arg2: memref<32x80x128xi32, #tpu.memory_space<hbm>>, %arg3: memref<32x80x128xi32, #tpu.memory_space<hbm>>, %arg4: memref<80x128xf32, #tpu.memory_space<hbm>>, %arg5: memref<32x80x128xf32, #tpu.memory_space<hbm>>, %arg6: memref<32x80x128xf32, #tpu.memory_space<hbm>>, %arg7: memref<80x128xi32, #tpu.memory_space<vmem>>, %arg8: memref<80x128xi32, #tpu.memory_space<vmem>>, %arg9: memref<80x128xf32, #tpu.memory_space<vmem>>, %arg10: memref<80x128xf32, #tpu.memory_space<vmem>>) attributes {dimension_semantics = [#tpu.dimension_semantics<core_parallel>, #tpu.dimension_semantics<subcore_parallel>], iteration_bounds = array<i64: 2, 16>, scalar_prefetch = 0 : i64, scratch_operands = 4 : i64, tpu.core_type = #tpu.core_type<sc_vector_subcore>, window_params = [{transform_indices = #map}, {transform_indices = #map}, {transform_indices = #map1}, {transform_indices = #map}, {transform_indices = #map}]} {
    %mul3A = arith.constant 2 : i32
    %mul3A_0 = arith.muli %arg1, %mul3A : i32
    %add3A = arith.addi %mul3A_0, %arg0 : i32
    "tpu.region"() ({
      %run_scoped3A = tpu.sem_alloc : memref<!tpu.dma_semaphore, #tpu.memory_space<semaphore_mem>>
      %dma_start3A = arith.constant 0 : i32
      %dma_start3A_6 = arith.constant 0 : i32
      %dma_start3A_7 = tpu.memref_slice %arg2[%add3A, %dma_start3A, %dma_start3A_6] : memref<32x80x128xi32, #tpu.memory_space<hbm>> -> memref<1x80x128xi32, #tpu.memory_space<hbm>>
      %dma_start3A_8 = tpu.memref_squeeze %dma_start3A_7 : memref<1x80x128xi32, #tpu.memory_space<hbm>> -> memref<80x128xi32, #tpu.memory_space<hbm>>
      %dma_start3A_9 = arith.constant 0 : i32
      %dma_start3A_10 = arith.constant 0 : i32
      %dma_start3A_11 = tpu.memref_slice %arg2[%add3A, %dma_start3A_9, %dma_start3A_10] : memref<32x80x128xi32, #tpu.memory_space<hbm>> -> memref<1x80x128xi32, #tpu.memory_space<hbm>>
      %dma_start3A_12 = tpu.memref_squeeze %dma_start3A_11 : memref<1x80x128xi32, #tpu.memory_space<hbm>> -> memref<80x128xi32, #tpu.memory_space<hbm>>
      tpu.enqueue_dma source(%dma_start3A_12 : memref<80x128xi32, #tpu.memory_space<hbm>>) target(%arg7 : memref<80x128xi32, #tpu.memory_space<vmem>>) target_semaphore(%run_scoped3A : memref<!tpu.dma_semaphore, #tpu.memory_space<semaphore_mem>>)
      %dma_wait3A = arith.constant 0 : i32
      %dma_wait3A_13 = arith.constant 0 : i32
      %dma_wait3A_14 = tpu.memref_slice %arg2[%add3A, %dma_wait3A, %dma_wait3A_13] : memref<32x80x128xi32, #tpu.memory_space<hbm>> -> memref<1x80x128xi32, #tpu.memory_space<hbm>>
      %dma_wait3A_15 = tpu.memref_squeeze %dma_wait3A_14 : memref<1x80x128xi32, #tpu.memory_space<hbm>> -> memref<80x128xi32, #tpu.memory_space<hbm>>
      %dma_wait3A_16 = arith.constant 0 : i32
      %dma_wait3A_17 = arith.constant 0 : i32
      %dma_wait3A_18 = tpu.memref_slice %arg2[%add3A, %dma_wait3A_16, %dma_wait3A_17] : memref<32x80x128xi32, #tpu.memory_space<hbm>> -> memref<1x80x128xi32, #tpu.memory_space<hbm>>
      %dma_wait3A_19 = tpu.memref_squeeze %dma_wait3A_18 : memref<1x80x128xi32, #tpu.memory_space<hbm>> -> memref<80x128xi32, #tpu.memory_space<hbm>>
      tpu.wait_dma2 semaphore(%run_scoped3A : memref<!tpu.dma_semaphore, #tpu.memory_space<semaphore_mem>>) src(%dma_wait3A_19 : memref<80x128xi32, #tpu.memory_space<hbm>>) dst(%arg7 : memref<80x128xi32, #tpu.memory_space<vmem>>)
      tpu.yield
    }) : () -> ()
    "tpu.region"() ({
      %run_scoped3A = tpu.sem_alloc : memref<!tpu.dma_semaphore, #tpu.memory_space<semaphore_mem>>
      %dma_start3A = arith.constant 0 : i32
      %dma_start3A_6 = arith.constant 0 : i32
      %dma_start3A_7 = tpu.memref_slice %arg3[%add3A, %dma_start3A, %dma_start3A_6] : memref<32x80x128xi32, #tpu.memory_space<hbm>> -> memref<1x80x128xi32, #tpu.memory_space<hbm>>
      %dma_start3A_8 = tpu.memref_squeeze %dma_start3A_7 : memref<1x80x128xi32, #tpu.memory_space<hbm>> -> memref<80x128xi32, #tpu.memory_space<hbm>>
      %dma_start3A_9 = arith.constant 0 : i32
      %dma_start3A_10 = arith.constant 0 : i32
      %dma_start3A_11 = tpu.memref_slice %arg3[%add3A, %dma_start3A_9, %dma_start3A_10] : memref<32x80x128xi32, #tpu.memory_space<hbm>> -> memref<1x80x128xi32, #tpu.memory_space<hbm>>
      %dma_start3A_12 = tpu.memref_squeeze %dma_start3A_11 : memref<1x80x128xi32, #tpu.memory_space<hbm>> -> memref<80x128xi32, #tpu.memory_space<hbm>>
      tpu.enqueue_dma source(%dma_start3A_12 : memref<80x128xi32, #tpu.memory_space<hbm>>) target(%arg8 : memref<80x128xi32, #tpu.memory_space<vmem>>) target_semaphore(%run_scoped3A : memref<!tpu.dma_semaphore, #tpu.memory_space<semaphore_mem>>)
      %dma_wait3A = arith.constant 0 : i32
      %dma_wait3A_13 = arith.constant 0 : i32
      %dma_wait3A_14 = tpu.memref_slice %arg3[%add3A, %dma_wait3A, %dma_wait3A_13] : memref<32x80x128xi32, #tpu.memory_space<hbm>> -> memref<1x80x128xi32, #tpu.memory_space<hbm>>
      %dma_wait3A_15 = tpu.memref_squeeze %dma_wait3A_14 : memref<1x80x128xi32, #tpu.memory_space<hbm>> -> memref<80x128xi32, #tpu.memory_space<hbm>>
      %dma_wait3A_16 = arith.constant 0 : i32
      %dma_wait3A_17 = arith.constant 0 : i32
      %dma_wait3A_18 = tpu.memref_slice %arg3[%add3A, %dma_wait3A_16, %dma_wait3A_17] : memref<32x80x128xi32, #tpu.memory_space<hbm>> -> memref<1x80x128xi32, #tpu.memory_space<hbm>>
      %dma_wait3A_19 = tpu.memref_squeeze %dma_wait3A_18 : memref<1x80x128xi32, #tpu.memory_space<hbm>> -> memref<80x128xi32, #tpu.memory_space<hbm>>
      tpu.wait_dma2 semaphore(%run_scoped3A : memref<!tpu.dma_semaphore, #tpu.memory_space<semaphore_mem>>) src(%dma_wait3A_19 : memref<80x128xi32, #tpu.memory_space<hbm>>) dst(%arg8 : memref<80x128xi32, #tpu.memory_space<vmem>>)
      tpu.yield
    }) : () -> ()
    "tpu.region"() ({
      %run_scoped3A = tpu.sem_alloc : memref<!tpu.dma_semaphore, #tpu.memory_space<semaphore_mem>>
      tpu.enqueue_dma source(%arg4 : memref<80x128xf32, #tpu.memory_space<hbm>>) target(%arg9 : memref<80x128xf32, #tpu.memory_space<vmem>>) target_semaphore(%run_scoped3A : memref<!tpu.dma_semaphore, #tpu.memory_space<semaphore_mem>>)
      tpu.wait_dma2 semaphore(%run_scoped3A : memref<!tpu.dma_semaphore, #tpu.memory_space<semaphore_mem>>) src(%arg4 : memref<80x128xf32, #tpu.memory_space<hbm>>) dst(%arg9 : memref<80x128xf32, #tpu.memory_space<vmem>>)
      tpu.yield
    }) : () -> ()
    "tpu.region"() ({
      %run_scoped3A = tpu.sem_alloc : memref<!tpu.dma_semaphore, #tpu.memory_space<semaphore_mem>>
      tpu.enqueue_dma source(%arg4 : memref<80x128xf32, #tpu.memory_space<hbm>>) target(%arg10 : memref<80x128xf32, #tpu.memory_space<vmem>>) target_semaphore(%run_scoped3A : memref<!tpu.dma_semaphore, #tpu.memory_space<semaphore_mem>>)
      tpu.wait_dma2 semaphore(%run_scoped3A : memref<!tpu.dma_semaphore, #tpu.memory_space<semaphore_mem>>) src(%arg4 : memref<80x128xf32, #tpu.memory_space<hbm>>) dst(%arg10 : memref<80x128xf32, #tpu.memory_space<vmem>>)
      tpu.yield
    }) : () -> ()
    %broadcast_in_dim3A = arith.constant 1.000000e+00 : f32
    %broadcast_in_dim3A_1 = vector.broadcast %broadcast_in_dim3A : f32 to vector<16xf32>
    %scan3A = arith.constant 0 : i32
    %scan3A_2 = arith.constant 80 : i32
    %scan3A_3 = arith.addi %scan3A, %scan3A_2 : i32
    %scan3A_4 = arith.constant 1 : i32
    scf.for %scan3A_6 = %scan3A to %scan3A_3 step %scan3A_4  : i32 {
      %mul3A_7 = arith.constant 1 : i32
      %mul3A_8 = arith.muli %scan3A_6, %mul3A_7 : i32
      %add3A_9 = arith.constant 0 : i32
      %add3A_10 = arith.addi %add3A_9, %mul3A_8 : i32
      %scan3A_11 = arith.constant 0 : i32
      %scan3A_12 = arith.constant 8 : i32
      %scan3A_13 = arith.addi %scan3A_11, %scan3A_12 : i32
      %scan3A_14 = arith.constant 1 : i32
      scf.for %scan3A_16 = %scan3A_11 to %scan3A_13 step %scan3A_14  : i32 {
        %mul3A_17 = arith.constant 1 : i32
        %mul3A_18 = arith.muli %scan3A_16, %mul3A_17 : i32
        %add3A_19 = arith.constant 0 : i32
        %add3A_20 = arith.addi %add3A_19, %mul3A_18 : i32
        %mul3A_21 = arith.constant 16 : i32
        %mul3A_22 = arith.muli %add3A_20, %mul3A_21 : i32
        %get3A = arith.index_cast %add3A_10 : i32 to index
        %get3A_23 = arith.index_cast %mul3A_22 : i32 to index
        %get3A_24 = tpu.vector_load %arg7[%get3A, %get3A_23] {strides = array<i32>} : memref<80x128xi32, #tpu.memory_space<vmem>>, vector<16xi32>,
        %shift_right_logical3A = arith.constant 7 : i32
        %shift_right_logical3A_25 = vector.broadcast %shift_right_logical3A : i32 to vector<16xi32>
        %shift_right_logical3A_26 = arith.shrui %get3A_24, %shift_right_logical3A_25 : vector<16xi32>
        %and3A = arith.constant 127 : i32
        %and3A_27 = vector.broadcast %and3A : i32 to vector<16xi32>
        %and3A_28 = arith.andi %get3A_24, %and3A_27 : vector<16xi32>
        tpu.vector_store_idx %arg9[%shift_right_logical3A_26, %and3A_28], %broadcast_in_dim3A_1 {add = true} : memref<80x128xf32, #tpu.memory_space<vmem>>[vector<16xi32>, vector<16xi32>], vector<16xf32>,
        %mul3A_29 = arith.constant 16 : i32
        %mul3A_30 = arith.muli %add3A_20, %mul3A_29 : i32
        %get3A_31 = arith.index_cast %add3A_10 : i32 to index
        %get3A_32 = arith.index_cast %mul3A_30 : i32 to index
        %get3A_33 = tpu.vector_load %arg8[%get3A_31, %get3A_32] {strides = array<i32>} : memref<80x128xi32, #tpu.memory_space<vmem>>, vector<16xi32>,
        %shift_right_logical3A_34 = arith.constant 7 : i32
        %shift_right_logical3A_35 = vector.broadcast %shift_right_logical3A_34 : i32 to vector<16xi32>
        %shift_right_logical3A_36 = arith.shrui %get3A_33, %shift_right_logical3A_35 : vector<16xi32>
        %and3A_37 = arith.constant 127 : i32
        %and3A_38 = vector.broadcast %and3A_37 : i32 to vector<16xi32>
        %and3A_39 = arith.andi %get3A_33, %and3A_38 : vector<16xi32>
        tpu.vector_store_idx %arg10[%shift_right_logical3A_36, %and3A_39], %broadcast_in_dim3A_1 {add = true} : memref<80x128xf32, #tpu.memory_space<vmem>>[vector<16xi32>, vector<16xi32>], vector<16xf32>,
      }
      %scan3A_15 = arith.constant 8 : i32
    }
    %scan3A_5 = arith.constant 80 : i32
    "tpu.region"() ({
      %run_scoped3A = tpu.sem_alloc : memref<!tpu.dma_semaphore, #tpu.memory_space<semaphore_mem>>
      %dma_start3A = arith.constant 0 : i32
      %dma_start3A_6 = arith.constant 0 : i32
      %dma_start3A_7 = tpu.memref_slice %arg5[%add3A, %dma_start3A, %dma_start3A_6] : memref<32x80x128xf32, #tpu.memory_space<hbm>> -> memref<1x80x128xf32, #tpu.memory_space<hbm>>
      %dma_start3A_8 = tpu.memref_squeeze %dma_start3A_7 : memref<1x80x128xf32, #tpu.memory_space<hbm>> -> memref<80x128xf32, #tpu.memory_space<hbm>>
      %dma_start3A_9 = arith.constant 0 : i32
      %dma_start3A_10 = arith.constant 0 : i32
      %dma_start3A_11 = tpu.memref_slice %arg5[%add3A, %dma_start3A_9, %dma_start3A_10] : memref<32x80x128xf32, #tpu.memory_space<hbm>> -> memref<1x80x128xf32, #tpu.memory_space<hbm>>
      %dma_start3A_12 = tpu.memref_squeeze %dma_start3A_11 : memref<1x80x128xf32, #tpu.memory_space<hbm>> -> memref<80x128xf32, #tpu.memory_space<hbm>>
      tpu.enqueue_dma source(%arg9 : memref<80x128xf32, #tpu.memory_space<vmem>>) target(%dma_start3A_12 : memref<80x128xf32, #tpu.memory_space<hbm>>) target_semaphore(%run_scoped3A : memref<!tpu.dma_semaphore, #tpu.memory_space<semaphore_mem>>)
      %dma_wait3A = arith.constant 0 : i32
      %dma_wait3A_13 = arith.constant 0 : i32
      %dma_wait3A_14 = tpu.memref_slice %arg5[%add3A, %dma_wait3A, %dma_wait3A_13] : memref<32x80x128xf32, #tpu.memory_space<hbm>> -> memref<1x80x128xf32, #tpu.memory_space<hbm>>
      %dma_wait3A_15 = tpu.memref_squeeze %dma_wait3A_14 : memref<1x80x128xf32, #tpu.memory_space<hbm>> -> memref<80x128xf32, #tpu.memory_space<hbm>>
      %dma_wait3A_16 = arith.constant 0 : i32
      %dma_wait3A_17 = arith.constant 0 : i32
      %dma_wait3A_18 = tpu.memref_slice %arg5[%add3A, %dma_wait3A_16, %dma_wait3A_17] : memref<32x80x128xf32, #tpu.memory_space<hbm>> -> memref<1x80x128xf32, #tpu.memory_space<hbm>>
      %dma_wait3A_19 = tpu.memref_squeeze %dma_wait3A_18 : memref<1x80x128xf32, #tpu.memory_space<hbm>> -> memref<80x128xf32, #tpu.memory_space<hbm>>
      tpu.wait_dma2 semaphore(%run_scoped3A : memref<!tpu.dma_semaphore, #tpu.memory_space<semaphore_mem>>) src(%arg9 : memref<80x128xf32, #tpu.memory_space<vmem>>) dst(%dma_wait3A_19 : memref<80x128xf32, #tpu.memory_space<hbm>>)
      tpu.yield
    }) : () -> ()
    "tpu.region"() ({
      %run_scoped3A = tpu.sem_alloc : memref<!tpu.dma_semaphore, #tpu.memory_space<semaphore_mem>>
      %dma_start3A = arith.constant 0 : i32
      %dma_start3A_6 = arith.constant 0 : i32
      %dma_start3A_7 = tpu.memref_slice %arg6[%add3A, %dma_start3A, %dma_start3A_6] : memref<32x80x128xf32, #tpu.memory_space<hbm>> -> memref<1x80x128xf32, #tpu.memory_space<hbm>>
      %dma_start3A_8 = tpu.memref_squeeze %dma_start3A_7 : memref<1x80x128xf32, #tpu.memory_space<hbm>> -> memref<80x128xf32, #tpu.memory_space<hbm>>
      %dma_start3A_9 = arith.constant 0 : i32
      %dma_start3A_10 = arith.constant 0 : i32
      %dma_start3A_11 = tpu.memref_slice %arg6[%add3A, %dma_start3A_9, %dma_start3A_10] : memref<32x80x128xf32, #tpu.memory_space<hbm>> -> memref<1x80x128xf32, #tpu.memory_space<hbm>>
      %dma_start3A_12 = tpu.memref_squeeze %dma_start3A_11 : memref<1x80x128xf32, #tpu.memory_space<hbm>> -> memref<80x128xf32, #tpu.memory_space<hbm>>
      tpu.enqueue_dma source(%arg10 : memref<80x128xf32, #tpu.memory_space<vmem>>) target(%dma_start3A_12 : memref<80x128xf32, #tpu.memory_space<hbm>>) target_semaphore(%run_scoped3A : memref<!tpu.dma_semaphore, #tpu.memory_space<semaphore_mem>>)
      %dma_wait3A = arith.constant 0 : i32
      %dma_wait3A_13 = arith.constant 0 : i32
      %dma_wait3A_14 = tpu.memref_slice %arg6[%add3A, %dma_wait3A, %dma_wait3A_13] : memref<32x80x128xf32, #tpu.memory_space<hbm>> -> memref<1x80x128xf32, #tpu.memory_space<hbm>>
      %dma_wait3A_15 = tpu.memref_squeeze %dma_wait3A_14 : memref<1x80x128xf32, #tpu.memory_space<hbm>> -> memref<80x128xf32, #tpu.memory_space<hbm>>
      %dma_wait3A_16 = arith.constant 0 : i32
      %dma_wait3A_17 = arith.constant 0 : i32
      %dma_wait3A_18 = tpu.memref_slice %arg6[%add3A, %dma_wait3A_16, %dma_wait3A_17] : memref<32x80x128xf32, #tpu.memory_space<hbm>> -> memref<1x80x128xf32, #tpu.memory_space<hbm>>
      %dma_wait3A_19 = tpu.memref_squeeze %dma_wait3A_18 : memref<1x80x128xf32, #tpu.memory_space<hbm>> -> memref<80x128xf32, #tpu.memory_space<hbm>>
      tpu.wait_dma2 semaphore(%run_scoped3A : memref<!tpu.dma_semaphore, #tpu.memory_space<semaphore_mem>>) src(%arg10 : memref<80x128xf32, #tpu.memory_space<vmem>>) dst(%dma_wait3A_19 : memref<80x128xf32, #tpu.memory_space<hbm>>)
      tpu.yield
    }) : () -> ()
    return
  }
}

#map = affine_map<(d0, d1) -> (0, 0)>
#map1 = affine_map<(d0, d1) -> (0, 0, 0)>
module attributes {stable_mosaic.version = 14 : i64} {
  func.func @_sc_pass(%arg0: i32, %arg1: i32, %arg2: memref<10000x128xf32, #tpu.memory_space<hbm>>, %arg3: memref<32x160x64xi32, #tpu.memory_space<hbm>>, %arg4: memref<32x160x64xi32, #tpu.memory_space<hbm>>, %arg5: memref<64x128xf32, #tpu.memory_space<hbm>>, %arg6: memref<2x10240x128xf32, #tpu.memory_space<hbm>>, %arg7: memref<32x64xi32, #tpu.memory_space<vmem>>, %arg8: memref<32x64xi32, #tpu.memory_space<vmem>>, %arg9: memref<64x128xf32, #tpu.memory_space<vmem>>, %arg10: memref<64x128xf32, #tpu.memory_space<vmem>>, %arg11: memref<64x128xf32, #tpu.memory_space<vmem>>, %arg12: memref<64x128xf32, #tpu.memory_space<vmem>>, %arg13: memref<!tpu.dma_semaphore, #tpu.memory_space<semaphore_mem>>, %arg14: memref<!tpu.dma_semaphore, #tpu.memory_space<semaphore_mem>>, %arg15: memref<!tpu.dma_semaphore, #tpu.memory_space<semaphore_mem>>, %arg16: memref<!tpu.dma_semaphore, #tpu.memory_space<semaphore_mem>>, %arg17: memref<!tpu.dma_semaphore, #tpu.memory_space<semaphore_mem>>, %arg18: memref<10240x128xf32, #tpu.memory_space<vmem_shared>>) attributes {dimension_semantics = [#tpu.dimension_semantics<core_parallel>, #tpu.dimension_semantics<subcore_parallel>], iteration_bounds = array<i64: 2, 16>, scalar_prefetch = 0 : i64, scratch_operands = 12 : i64, tpu.core_type = #tpu.core_type<sc_vector_subcore>, window_params = [{transform_indices = #map}, {transform_indices = #map1}, {transform_indices = #map1}, {transform_indices = #map}, {transform_indices = #map1}]} {
    %mul3A = arith.constant 2 : i32
    %mul3A_0 = arith.muli %arg1, %mul3A : i32
    %add3A = arith.addi %mul3A_0, %arg0 : i32
    %mul3A_1 = arith.constant 640 : i32
    %mul3A_2 = arith.muli %arg1, %mul3A_1 : i32
    "tpu.region"() ({
      %run_scoped3A = tpu.sem_alloc : memref<!tpu.dma_semaphore, #tpu.memory_space<semaphore_mem>>
      tpu.enqueue_dma source(%arg5 : memref<64x128xf32, #tpu.memory_space<hbm>>) target(%arg9 : memref<64x128xf32, #tpu.memory_space<vmem>>) target_semaphore(%run_scoped3A : memref<!tpu.dma_semaphore, #tpu.memory_space<semaphore_mem>>)
      tpu.wait_dma2 semaphore(%run_scoped3A : memref<!tpu.dma_semaphore, #tpu.memory_space<semaphore_mem>>) src(%arg5 : memref<64x128xf32, #tpu.memory_space<hbm>>) dst(%arg9 : memref<64x128xf32, #tpu.memory_space<vmem>>)
      tpu.yield
    }) : () -> ()
    %scan3A = arith.constant 0 : i32
    %scan3A_3 = arith.constant 10 : i32
    %scan3A_4 = arith.addi %scan3A, %scan3A_3 : i32
    %scan3A_5 = arith.constant 1 : i32
    scf.for %scan3A_18 = %scan3A to %scan3A_4 step %scan3A_5  : i32 {
      %mul3A_19 = arith.constant 1 : i32
      %mul3A_20 = arith.muli %scan3A_18, %mul3A_19 : i32
      %add3A_21 = arith.constant 0 : i32
      %add3A_22 = arith.addi %add3A_21, %mul3A_20 : i32
      %mul3A_23 = arith.constant 64 : i32
      %mul3A_24 = arith.muli %add3A_22, %mul3A_23 : i32
      %add3A_25 = arith.addi %mul3A_2, %mul3A_24 : i32
      "tpu.region"() ({
        %run_scoped3A = tpu.sem_alloc : memref<!tpu.dma_semaphore, #tpu.memory_space<semaphore_mem>>
        %dma_start3A = arith.constant 0 : i32
        %dma_start3A_26 = tpu.memref_slice %arg18[%add3A_25, %dma_start3A] : memref<10240x128xf32, #tpu.memory_space<vmem_shared>> -> memref<64x128xf32, #tpu.memory_space<vmem_shared>>
        %dma_start3A_27 = arith.constant 0 : i32
        %dma_start3A_28 = tpu.memref_slice %arg18[%add3A_25, %dma_start3A_27] : memref<10240x128xf32, #tpu.memory_space<vmem_shared>> -> memref<64x128xf32, #tpu.memory_space<vmem_shared>>
        tpu.enqueue_dma source(%arg9 : memref<64x128xf32, #tpu.memory_space<vmem>>) target(%dma_start3A_28 : memref<64x128xf32, #tpu.memory_space<vmem_shared>>) target_semaphore(%run_scoped3A : memref<!tpu.dma_semaphore, #tpu.memory_space<semaphore_mem>>)
        %dma_wait3A = arith.constant 0 : i32
        %dma_wait3A_29 = tpu.memref_slice %arg18[%add3A_25, %dma_wait3A] : memref<10240x128xf32, #tpu.memory_space<vmem_shared>> -> memref<64x128xf32, #tpu.memory_space<vmem_shared>>
        %dma_wait3A_30 = arith.constant 0 : i32
        %dma_wait3A_31 = tpu.memref_slice %arg18[%add3A_25, %dma_wait3A_30] : memref<10240x128xf32, #tpu.memory_space<vmem_shared>> -> memref<64x128xf32, #tpu.memory_space<vmem_shared>>
        tpu.wait_dma2 semaphore(%run_scoped3A : memref<!tpu.dma_semaphore, #tpu.memory_space<semaphore_mem>>) src(%arg9 : memref<64x128xf32, #tpu.memory_space<vmem>>) dst(%dma_wait3A_31 : memref<64x128xf32, #tpu.memory_space<vmem_shared>>)
        tpu.yield
      }) : () -> ()
    }
    %scan3A_6 = arith.constant 10 : i32
    %barrier3A = arith.constant 0 : index
    tpu.barrier barrier_id(%barrier3A)
    %scan3A_7 = arith.constant 0 : i32
    %scan3A_8 = arith.constant 5 : i32
    %scan3A_9 = arith.addi %scan3A_7, %scan3A_8 : i32
    %scan3A_10 = arith.constant 1 : i32
    scf.for %scan3A_18 = %scan3A_7 to %scan3A_9 step %scan3A_10  : i32 {
      %mul3A_19 = arith.constant 1 : i32
      %mul3A_20 = arith.muli %scan3A_18, %mul3A_19 : i32
      %add3A_21 = arith.constant 0 : i32
      %add3A_22 = arith.addi %add3A_21, %mul3A_20 : i32
      %mul3A_23 = arith.constant 32 : i32
      %mul3A_24 = arith.muli %add3A_22, %mul3A_23 : i32
      "tpu.region"() ({
        %run_scoped3A = tpu.sem_alloc : memref<!tpu.dma_semaphore, #tpu.memory_space<semaphore_mem>>
        %dma_start3A = arith.constant 0 : i32
        %dma_start3A_32 = tpu.memref_slice %arg3[%add3A, %mul3A_24, %dma_start3A] : memref<32x160x64xi32, #tpu.memory_space<hbm>> -> memref<1x32x64xi32, #tpu.memory_space<hbm>>
        %dma_start3A_33 = tpu.memref_squeeze %dma_start3A_32 : memref<1x32x64xi32, #tpu.memory_space<hbm>> -> memref<32x64xi32, #tpu.memory_space<hbm>>
        %dma_start3A_34 = arith.constant 0 : i32
        %dma_start3A_35 = tpu.memref_slice %arg3[%add3A, %mul3A_24, %dma_start3A_34] : memref<32x160x64xi32, #tpu.memory_space<hbm>> -> memref<1x32x64xi32, #tpu.memory_space<hbm>>
        %dma_start3A_36 = tpu.memref_squeeze %dma_start3A_35 : memref<1x32x64xi32, #tpu.memory_space<hbm>> -> memref<32x64xi32, #tpu.memory_space<hbm>>
        tpu.enqueue_dma source(%dma_start3A_36 : memref<32x64xi32, #tpu.memory_space<hbm>>) target(%arg7 : memref<32x64xi32, #tpu.memory_space<vmem>>) target_semaphore(%run_scoped3A : memref<!tpu.dma_semaphore, #tpu.memory_space<semaphore_mem>>)
        %dma_wait3A = arith.constant 0 : i32
        %dma_wait3A_37 = tpu.memref_slice %arg3[%add3A, %mul3A_24, %dma_wait3A] : memref<32x160x64xi32, #tpu.memory_space<hbm>> -> memref<1x32x64xi32, #tpu.memory_space<hbm>>
        %dma_wait3A_38 = tpu.memref_squeeze %dma_wait3A_37 : memref<1x32x64xi32, #tpu.memory_space<hbm>> -> memref<32x64xi32, #tpu.memory_space<hbm>>
        %dma_wait3A_39 = arith.constant 0 : i32
        %dma_wait3A_40 = tpu.memref_slice %arg3[%add3A, %mul3A_24, %dma_wait3A_39] : memref<32x160x64xi32, #tpu.memory_space<hbm>> -> memref<1x32x64xi32, #tpu.memory_space<hbm>>
        %dma_wait3A_41 = tpu.memref_squeeze %dma_wait3A_40 : memref<1x32x64xi32, #tpu.memory_space<hbm>> -> memref<32x64xi32, #tpu.memory_space<hbm>>
        tpu.wait_dma2 semaphore(%run_scoped3A : memref<!tpu.dma_semaphore, #tpu.memory_space<semaphore_mem>>) src(%dma_wait3A_41 : memref<32x64xi32, #tpu.memory_space<hbm>>) dst(%arg7 : memref<32x64xi32, #tpu.memory_space<vmem>>)
        tpu.yield
      }) : () -> ()
      %mul3A_25 = arith.constant 32 : i32
      %mul3A_26 = arith.muli %add3A_22, %mul3A_25 : i32
      "tpu.region"() ({
        %run_scoped3A = tpu.sem_alloc : memref<!tpu.dma_semaphore, #tpu.memory_space<semaphore_mem>>
        %dma_start3A = arith.constant 0 : i32
        %dma_start3A_32 = tpu.memref_slice %arg4[%add3A, %mul3A_26, %dma_start3A] : memref<32x160x64xi32, #tpu.memory_space<hbm>> -> memref<1x32x64xi32, #tpu.memory_space<hbm>>
        %dma_start3A_33 = tpu.memref_squeeze %dma_start3A_32 : memref<1x32x64xi32, #tpu.memory_space<hbm>> -> memref<32x64xi32, #tpu.memory_space<hbm>>
        %dma_start3A_34 = arith.constant 0 : i32
        %dma_start3A_35 = tpu.memref_slice %arg4[%add3A, %mul3A_26, %dma_start3A_34] : memref<32x160x64xi32, #tpu.memory_space<hbm>> -> memref<1x32x64xi32, #tpu.memory_space<hbm>>
        %dma_start3A_36 = tpu.memref_squeeze %dma_start3A_35 : memref<1x32x64xi32, #tpu.memory_space<hbm>> -> memref<32x64xi32, #tpu.memory_space<hbm>>
        tpu.enqueue_dma source(%dma_start3A_36 : memref<32x64xi32, #tpu.memory_space<hbm>>) target(%arg8 : memref<32x64xi32, #tpu.memory_space<vmem>>) target_semaphore(%run_scoped3A : memref<!tpu.dma_semaphore, #tpu.memory_space<semaphore_mem>>)
        %dma_wait3A = arith.constant 0 : i32
        %dma_wait3A_37 = tpu.memref_slice %arg4[%add3A, %mul3A_26, %dma_wait3A] : memref<32x160x64xi32, #tpu.memory_space<hbm>> -> memref<1x32x64xi32, #tpu.memory_space<hbm>>
        %dma_wait3A_38 = tpu.memref_squeeze %dma_wait3A_37 : memref<1x32x64xi32, #tpu.memory_space<hbm>> -> memref<32x64xi32, #tpu.memory_space<hbm>>
        %dma_wait3A_39 = arith.constant 0 : i32
        %dma_wait3A_40 = tpu.memref_slice %arg4[%add3A, %mul3A_26, %dma_wait3A_39] : memref<32x160x64xi32, #tpu.memory_space<hbm>> -> memref<1x32x64xi32, #tpu.memory_space<hbm>>
        %dma_wait3A_41 = tpu.memref_squeeze %dma_wait3A_40 : memref<1x32x64xi32, #tpu.memory_space<hbm>> -> memref<32x64xi32, #tpu.memory_space<hbm>>
        tpu.wait_dma2 semaphore(%run_scoped3A : memref<!tpu.dma_semaphore, #tpu.memory_space<semaphore_mem>>) src(%dma_wait3A_41 : memref<32x64xi32, #tpu.memory_space<hbm>>) dst(%arg8 : memref<32x64xi32, #tpu.memory_space<vmem>>)
        tpu.yield
      }) : () -> ()
      %scan3A_27 = arith.constant 0 : i32
      %scan3A_28 = arith.constant 8 : i32
      %scan3A_29 = arith.addi %scan3A_27, %scan3A_28 : i32
      %scan3A_30 = arith.constant 1 : i32
      scf.for %scan3A_32 = %scan3A_27 to %scan3A_29 step %scan3A_30  : i32 {
        %mul3A_33 = arith.constant 1 : i32
        %mul3A_34 = arith.muli %scan3A_32, %mul3A_33 : i32
        %add3A_35 = arith.constant 0 : i32
        %add3A_36 = arith.addi %add3A_35, %mul3A_34 : i32
        %gt3A = arith.constant 0 : i32
        %gt3A_37 = arith.cmpi sgt, %add3A_36, %gt3A : i32
        %convert_element_type3A = arith.extui %gt3A_37 : i1 to i32
        %cond3A = arith.constant 0 : i32
        %cond3A_38 = arith.cmpi ne, %convert_element_type3A, %cond3A : i32
        scf.if %cond3A_38 {
          tpu.wait_dma2 semaphore(%arg17 : memref<!tpu.dma_semaphore, #tpu.memory_space<semaphore_mem>>) src(%arg5 : memref<64x128xf32, #tpu.memory_space<hbm>>) dst(%arg9 : memref<64x128xf32, #tpu.memory_space<vmem>>)
          tpu.wait_dma2 semaphore(%arg17 : memref<!tpu.dma_semaphore, #tpu.memory_space<semaphore_mem>>) src(%arg5 : memref<64x128xf32, #tpu.memory_space<hbm>>) dst(%arg10 : memref<64x128xf32, #tpu.memory_space<vmem>>)
          tpu.wait_dma2 semaphore(%arg17 : memref<!tpu.dma_semaphore, #tpu.memory_space<semaphore_mem>>) src(%arg5 : memref<64x128xf32, #tpu.memory_space<hbm>>) dst(%arg11 : memref<64x128xf32, #tpu.memory_space<vmem>>)
          tpu.wait_dma2 semaphore(%arg17 : memref<!tpu.dma_semaphore, #tpu.memory_space<semaphore_mem>>) src(%arg5 : memref<64x128xf32, #tpu.memory_space<hbm>>) dst(%arg12 : memref<64x128xf32, #tpu.memory_space<vmem>>)
        } else {
        }
        %mul3A_39 = arith.constant 4 : i32
        %mul3A_40 = arith.muli %add3A_36, %mul3A_39 : i32
        %add3A_41 = arith.constant 0 : i32
        %add3A_42 = arith.addi %mul3A_40, %add3A_41 : i32
        %dma_start3A = arith.constant 0 : i32
        %dma_start3A_43 = tpu.memref_slice %arg7[%add3A_42, %dma_start3A] : memref<32x64xi32, #tpu.memory_space<vmem>> -> memref<1x64xi32, #tpu.memory_space<vmem>>
        %dma_start3A_44 = tpu.memref_squeeze %dma_start3A_43 : memref<1x64xi32, #tpu.memory_space<vmem>> -> memref<64xi32, #tpu.memory_space<vmem>>
        %dma_start3A_45 = arith.constant 0 : i32
        %dma_start3A_46 = arith.constant 0 : i32
        %dma_start3A_47 = tpu.memref_slice %arg2[%dma_start3A_45, %dma_start3A_46] : memref<10000x128xf32, #tpu.memory_space<hbm>> -> memref<10000x128xf32, #tpu.memory_space<hbm>>
        tpu.enqueue_indirect_dma source(%dma_start3A_47 : memref<10000x128xf32, #tpu.memory_space<hbm>>) target(%arg9 : memref<64x128xf32, #tpu.memory_space<vmem>>) offsets(%dma_start3A_44 : memref<64xi32, #tpu.memory_space<vmem>>) semaphore(%arg13 : memref<!tpu.dma_semaphore, #tpu.memory_space<semaphore_mem>>)
        %add3A_48 = arith.constant 1 : i32
        %add3A_49 = arith.addi %mul3A_40, %add3A_48 : i32
        %dma_start3A_50 = arith.constant 0 : i32
        %dma_start3A_51 = tpu.memref_slice %arg7[%add3A_49, %dma_start3A_50] : memref<32x64xi32, #tpu.memory_space<vmem>> -> memref<1x64xi32, #tpu.memory_space<vmem>>
        %dma_start3A_52 = tpu.memref_squeeze %dma_start3A_51 : memref<1x64xi32, #tpu.memory_space<vmem>> -> memref<64xi32, #tpu.memory_space<vmem>>
        %dma_start3A_53 = arith.constant 0 : i32
        %dma_start3A_54 = arith.constant 0 : i32
        %dma_start3A_55 = tpu.memref_slice %arg2[%dma_start3A_53, %dma_start3A_54] : memref<10000x128xf32, #tpu.memory_space<hbm>> -> memref<10000x128xf32, #tpu.memory_space<hbm>>
        tpu.enqueue_indirect_dma source(%dma_start3A_55 : memref<10000x128xf32, #tpu.memory_space<hbm>>) target(%arg10 : memref<64x128xf32, #tpu.memory_space<vmem>>) offsets(%dma_start3A_52 : memref<64xi32, #tpu.memory_space<vmem>>) semaphore(%arg14 : memref<!tpu.dma_semaphore, #tpu.memory_space<semaphore_mem>>)
        %add3A_56 = arith.constant 2 : i32
        %add3A_57 = arith.addi %mul3A_40, %add3A_56 : i32
        %dma_start3A_58 = arith.constant 0 : i32
        %dma_start3A_59 = tpu.memref_slice %arg7[%add3A_57, %dma_start3A_58] : memref<32x64xi32, #tpu.memory_space<vmem>> -> memref<1x64xi32, #tpu.memory_space<vmem>>
        %dma_start3A_60 = tpu.memref_squeeze %dma_start3A_59 : memref<1x64xi32, #tpu.memory_space<vmem>> -> memref<64xi32, #tpu.memory_space<vmem>>
        %dma_start3A_61 = arith.constant 0 : i32
        %dma_start3A_62 = arith.constant 0 : i32
        %dma_start3A_63 = tpu.memref_slice %arg2[%dma_start3A_61, %dma_start3A_62] : memref<10000x128xf32, #tpu.memory_space<hbm>> -> memref<10000x128xf32, #tpu.memory_space<hbm>>
        tpu.enqueue_indirect_dma source(%dma_start3A_63 : memref<10000x128xf32, #tpu.memory_space<hbm>>) target(%arg11 : memref<64x128xf32, #tpu.memory_space<vmem>>) offsets(%dma_start3A_60 : memref<64xi32, #tpu.memory_space<vmem>>) semaphore(%arg15 : memref<!tpu.dma_semaphore, #tpu.memory_space<semaphore_mem>>)
        %add3A_64 = arith.constant 3 : i32
        %add3A_65 = arith.addi %mul3A_40, %add3A_64 : i32
        %dma_start3A_66 = arith.constant 0 : i32
        %dma_start3A_67 = tpu.memref_slice %arg7[%add3A_65, %dma_start3A_66] : memref<32x64xi32, #tpu.memory_space<vmem>> -> memref<1x64xi32, #tpu.memory_space<vmem>>
        %dma_start3A_68 = tpu.memref_squeeze %dma_start3A_67 : memref<1x64xi32, #tpu.memory_space<vmem>> -> memref<64xi32, #tpu.memory_space<vmem>>
        %dma_start3A_69 = arith.constant 0 : i32
        %dma_start3A_70 = arith.constant 0 : i32
        %dma_start3A_71 = tpu.memref_slice %arg2[%dma_start3A_69, %dma_start3A_70] : memref<10000x128xf32, #tpu.memory_space<hbm>> -> memref<10000x128xf32, #tpu.memory_space<hbm>>
        tpu.enqueue_indirect_dma source(%dma_start3A_71 : memref<10000x128xf32, #tpu.memory_space<hbm>>) target(%arg12 : memref<64x128xf32, #tpu.memory_space<vmem>>) offsets(%dma_start3A_68 : memref<64xi32, #tpu.memory_space<vmem>>) semaphore(%arg16 : memref<!tpu.dma_semaphore, #tpu.memory_space<semaphore_mem>>)
        %dma_wait3A = arith.constant 0 : i32
        %dma_wait3A_72 = tpu.memref_slice %arg7[%add3A_42, %dma_wait3A] : memref<32x64xi32, #tpu.memory_space<vmem>> -> memref<1x64xi32, #tpu.memory_space<vmem>>
        %dma_wait3A_73 = tpu.memref_squeeze %dma_wait3A_72 : memref<1x64xi32, #tpu.memory_space<vmem>> -> memref<64xi32, #tpu.memory_space<vmem>>
        %dma_wait3A_74 = arith.constant 0 : i32
        %dma_wait3A_75 = arith.constant 0 : i32
        %dma_wait3A_76 = tpu.memref_slice %arg2[%dma_wait3A_74, %dma_wait3A_75] : memref<10000x128xf32, #tpu.memory_space<hbm>> -> memref<10000x128xf32, #tpu.memory_space<hbm>>
        tpu.wait_indirect_dma semaphore(%arg13 : memref<!tpu.dma_semaphore, #tpu.memory_space<semaphore_mem>>) src(%dma_wait3A_76 : memref<10000x128xf32, #tpu.memory_space<hbm>>) dst(%arg9 : memref<64x128xf32, #tpu.memory_space<vmem>>)
        %add3A_77 = arith.constant 0 : i32
        %add3A_78 = arith.addi %mul3A_40, %add3A_77 : i32
        %dma_start3A_79 = arith.constant 0 : i32
        %dma_start3A_80 = tpu.memref_slice %arg8[%add3A_78, %dma_start3A_79] : memref<32x64xi32, #tpu.memory_space<vmem>> -> memref<1x64xi32, #tpu.memory_space<vmem>>
        %dma_start3A_81 = tpu.memref_squeeze %dma_start3A_80 : memref<1x64xi32, #tpu.memory_space<vmem>> -> memref<64xi32, #tpu.memory_space<vmem>>
        %dma_start3A_82 = arith.constant 0 : i32
        %dma_start3A_83 = arith.constant 0 : i32
        %dma_start3A_84 = tpu.memref_slice %arg18[%dma_start3A_82, %dma_start3A_83] : memref<10240x128xf32, #tpu.memory_space<vmem_shared>> -> memref<10240x128xf32, #tpu.memory_space<vmem_shared>>
        tpu.enqueue_indirect_dma source(%arg9 : memref<64x128xf32, #tpu.memory_space<vmem>>) target(%dma_start3A_84 : memref<10240x128xf32, #tpu.memory_space<vmem_shared>>) offsets(%dma_start3A_81 : memref<64xi32, #tpu.memory_space<vmem>>) semaphore(%arg17 : memref<!tpu.dma_semaphore, #tpu.memory_space<semaphore_mem>>) {add = true}
        %dma_wait3A_85 = arith.constant 0 : i32
        %dma_wait3A_86 = tpu.memref_slice %arg7[%add3A_49, %dma_wait3A_85] : memref<32x64xi32, #tpu.memory_space<vmem>> -> memref<1x64xi32, #tpu.memory_space<vmem>>
        %dma_wait3A_87 = tpu.memref_squeeze %dma_wait3A_86 : memref<1x64xi32, #tpu.memory_space<vmem>> -> memref<64xi32, #tpu.memory_space<vmem>>
        %dma_wait3A_88 = arith.constant 0 : i32
        %dma_wait3A_89 = arith.constant 0 : i32
        %dma_wait3A_90 = tpu.memref_slice %arg2[%dma_wait3A_88, %dma_wait3A_89] : memref<10000x128xf32, #tpu.memory_space<hbm>> -> memref<10000x128xf32, #tpu.memory_space<hbm>>
        tpu.wait_indirect_dma semaphore(%arg14 : memref<!tpu.dma_semaphore, #tpu.memory_space<semaphore_mem>>) src(%dma_wait3A_90 : memref<10000x128xf32, #tpu.memory_space<hbm>>) dst(%arg10 : memref<64x128xf32, #tpu.memory_space<vmem>>)
        %add3A_91 = arith.constant 1 : i32
        %add3A_92 = arith.addi %mul3A_40, %add3A_91 : i32
        %dma_start3A_93 = arith.constant 0 : i32
        %dma_start3A_94 = tpu.memref_slice %arg8[%add3A_92, %dma_start3A_93] : memref<32x64xi32, #tpu.memory_space<vmem>> -> memref<1x64xi32, #tpu.memory_space<vmem>>
        %dma_start3A_95 = tpu.memref_squeeze %dma_start3A_94 : memref<1x64xi32, #tpu.memory_space<vmem>> -> memref<64xi32, #tpu.memory_space<vmem>>
        %dma_start3A_96 = arith.constant 0 : i32
        %dma_start3A_97 = arith.constant 0 : i32
        %dma_start3A_98 = tpu.memref_slice %arg18[%dma_start3A_96, %dma_start3A_97] : memref<10240x128xf32, #tpu.memory_space<vmem_shared>> -> memref<10240x128xf32, #tpu.memory_space<vmem_shared>>
        tpu.enqueue_indirect_dma source(%arg10 : memref<64x128xf32, #tpu.memory_space<vmem>>) target(%dma_start3A_98 : memref<10240x128xf32, #tpu.memory_space<vmem_shared>>) offsets(%dma_start3A_95 : memref<64xi32, #tpu.memory_space<vmem>>) semaphore(%arg17 : memref<!tpu.dma_semaphore, #tpu.memory_space<semaphore_mem>>) {add = true}
        %dma_wait3A_99 = arith.constant 0 : i32
        %dma_wait3A_100 = tpu.memref_slice %arg7[%add3A_57, %dma_wait3A_99] : memref<32x64xi32, #tpu.memory_space<vmem>> -> memref<1x64xi32, #tpu.memory_space<vmem>>
        %dma_wait3A_101 = tpu.memref_squeeze %dma_wait3A_100 : memref<1x64xi32, #tpu.memory_space<vmem>> -> memref<64xi32, #tpu.memory_space<vmem>>
        %dma_wait3A_102 = arith.constant 0 : i32
        %dma_wait3A_103 = arith.constant 0 : i32
        %dma_wait3A_104 = tpu.memref_slice %arg2[%dma_wait3A_102, %dma_wait3A_103] : memref<10000x128xf32, #tpu.memory_space<hbm>> -> memref<10000x128xf32, #tpu.memory_space<hbm>>
        tpu.wait_indirect_dma semaphore(%arg15 : memref<!tpu.dma_semaphore, #tpu.memory_space<semaphore_mem>>) src(%dma_wait3A_104 : memref<10000x128xf32, #tpu.memory_space<hbm>>) dst(%arg11 : memref<64x128xf32, #tpu.memory_space<vmem>>)
        %add3A_105 = arith.constant 2 : i32
        %add3A_106 = arith.addi %mul3A_40, %add3A_105 : i32
        %dma_start3A_107 = arith.constant 0 : i32
        %dma_start3A_108 = tpu.memref_slice %arg8[%add3A_106, %dma_start3A_107] : memref<32x64xi32, #tpu.memory_space<vmem>> -> memref<1x64xi32, #tpu.memory_space<vmem>>
        %dma_start3A_109 = tpu.memref_squeeze %dma_start3A_108 : memref<1x64xi32, #tpu.memory_space<vmem>> -> memref<64xi32, #tpu.memory_space<vmem>>
        %dma_start3A_110 = arith.constant 0 : i32
        %dma_start3A_111 = arith.constant 0 : i32
        %dma_start3A_112 = tpu.memref_slice %arg18[%dma_start3A_110, %dma_start3A_111] : memref<10240x128xf32, #tpu.memory_space<vmem_shared>> -> memref<10240x128xf32, #tpu.memory_space<vmem_shared>>
        tpu.enqueue_indirect_dma source(%arg11 : memref<64x128xf32, #tpu.memory_space<vmem>>) target(%dma_start3A_112 : memref<10240x128xf32, #tpu.memory_space<vmem_shared>>) offsets(%dma_start3A_109 : memref<64xi32, #tpu.memory_space<vmem>>) semaphore(%arg17 : memref<!tpu.dma_semaphore, #tpu.memory_space<semaphore_mem>>) {add = true}
        %dma_wait3A_113 = arith.constant 0 : i32
        %dma_wait3A_114 = tpu.memref_slice %arg7[%add3A_65, %dma_wait3A_113] : memref<32x64xi32, #tpu.memory_space<vmem>> -> memref<1x64xi32, #tpu.memory_space<vmem>>
        %dma_wait3A_115 = tpu.memref_squeeze %dma_wait3A_114 : memref<1x64xi32, #tpu.memory_space<vmem>> -> memref<64xi32, #tpu.memory_space<vmem>>
        %dma_wait3A_116 = arith.constant 0 : i32
        %dma_wait3A_117 = arith.constant 0 : i32
        %dma_wait3A_118 = tpu.memref_slice %arg2[%dma_wait3A_116, %dma_wait3A_117] : memref<10000x128xf32, #tpu.memory_space<hbm>> -> memref<10000x128xf32, #tpu.memory_space<hbm>>
        tpu.wait_indirect_dma semaphore(%arg16 : memref<!tpu.dma_semaphore, #tpu.memory_space<semaphore_mem>>) src(%dma_wait3A_118 : memref<10000x128xf32, #tpu.memory_space<hbm>>) dst(%arg12 : memref<64x128xf32, #tpu.memory_space<vmem>>)
        %add3A_119 = arith.constant 3 : i32
        %add3A_120 = arith.addi %mul3A_40, %add3A_119 : i32
        %dma_start3A_121 = arith.constant 0 : i32
        %dma_start3A_122 = tpu.memref_slice %arg8[%add3A_120, %dma_start3A_121] : memref<32x64xi32, #tpu.memory_space<vmem>> -> memref<1x64xi32, #tpu.memory_space<vmem>>
        %dma_start3A_123 = tpu.memref_squeeze %dma_start3A_122 : memref<1x64xi32, #tpu.memory_space<vmem>> -> memref<64xi32, #tpu.memory_space<vmem>>
        %dma_start3A_124 = arith.constant 0 : i32
        %dma_start3A_125 = arith.constant 0 : i32
        %dma_start3A_126 = tpu.memref_slice %arg18[%dma_start3A_124, %dma_start3A_125] : memref<10240x128xf32, #tpu.memory_space<vmem_shared>> -> memref<10240x128xf32, #tpu.memory_space<vmem_shared>>
        tpu.enqueue_indirect_dma source(%arg12 : memref<64x128xf32, #tpu.memory_space<vmem>>) target(%dma_start3A_126 : memref<10240x128xf32, #tpu.memory_space<vmem_shared>>) offsets(%dma_start3A_123 : memref<64xi32, #tpu.memory_space<vmem>>) semaphore(%arg17 : memref<!tpu.dma_semaphore, #tpu.memory_space<semaphore_mem>>) {add = true}
      }
      %scan3A_31 = arith.constant 8 : i32
      tpu.wait_dma2 semaphore(%arg17 : memref<!tpu.dma_semaphore, #tpu.memory_space<semaphore_mem>>) src(%arg5 : memref<64x128xf32, #tpu.memory_space<hbm>>) dst(%arg9 : memref<64x128xf32, #tpu.memory_space<vmem>>)
      tpu.wait_dma2 semaphore(%arg17 : memref<!tpu.dma_semaphore, #tpu.memory_space<semaphore_mem>>) src(%arg5 : memref<64x128xf32, #tpu.memory_space<hbm>>) dst(%arg10 : memref<64x128xf32, #tpu.memory_space<vmem>>)
      tpu.wait_dma2 semaphore(%arg17 : memref<!tpu.dma_semaphore, #tpu.memory_space<semaphore_mem>>) src(%arg5 : memref<64x128xf32, #tpu.memory_space<hbm>>) dst(%arg11 : memref<64x128xf32, #tpu.memory_space<vmem>>)
      tpu.wait_dma2 semaphore(%arg17 : memref<!tpu.dma_semaphore, #tpu.memory_space<semaphore_mem>>) src(%arg5 : memref<64x128xf32, #tpu.memory_space<hbm>>) dst(%arg12 : memref<64x128xf32, #tpu.memory_space<vmem>>)
    }
    %scan3A_11 = arith.constant 5 : i32
    %barrier3A_12 = arith.constant 0 : index
    tpu.barrier barrier_id(%barrier3A_12)
    %scan3A_13 = arith.constant 0 : i32
    %scan3A_14 = arith.constant 10 : i32
    %scan3A_15 = arith.addi %scan3A_13, %scan3A_14 : i32
    %scan3A_16 = arith.constant 1 : i32
    scf.for %scan3A_18 = %scan3A_13 to %scan3A_15 step %scan3A_16  : i32 {
      %mul3A_19 = arith.constant 1 : i32
      %mul3A_20 = arith.muli %scan3A_18, %mul3A_19 : i32
      %add3A_21 = arith.constant 0 : i32
      %add3A_22 = arith.addi %add3A_21, %mul3A_20 : i32
      %mul3A_23 = arith.constant 64 : i32
      %mul3A_24 = arith.muli %add3A_22, %mul3A_23 : i32
      %add3A_25 = arith.addi %mul3A_2, %mul3A_24 : i32
      "tpu.region"() ({
        %run_scoped3A = tpu.sem_alloc : memref<!tpu.dma_semaphore, #tpu.memory_space<semaphore_mem>>
        %dma_start3A = arith.constant 0 : i32
        %dma_start3A_26 = tpu.memref_slice %arg18[%add3A_25, %dma_start3A] : memref<10240x128xf32, #tpu.memory_space<vmem_shared>> -> memref<64x128xf32, #tpu.memory_space<vmem_shared>>
        %dma_start3A_27 = arith.constant 0 : i32
        %dma_start3A_28 = tpu.memref_slice %arg18[%add3A_25, %dma_start3A_27] : memref<10240x128xf32, #tpu.memory_space<vmem_shared>> -> memref<64x128xf32, #tpu.memory_space<vmem_shared>>
        tpu.enqueue_dma source(%dma_start3A_28 : memref<64x128xf32, #tpu.memory_space<vmem_shared>>) target(%arg9 : memref<64x128xf32, #tpu.memory_space<vmem>>) target_semaphore(%run_scoped3A : memref<!tpu.dma_semaphore, #tpu.memory_space<semaphore_mem>>)
        %dma_wait3A = arith.constant 0 : i32
        %dma_wait3A_29 = tpu.memref_slice %arg18[%add3A_25, %dma_wait3A] : memref<10240x128xf32, #tpu.memory_space<vmem_shared>> -> memref<64x128xf32, #tpu.memory_space<vmem_shared>>
        %dma_wait3A_30 = arith.constant 0 : i32
        %dma_wait3A_31 = tpu.memref_slice %arg18[%add3A_25, %dma_wait3A_30] : memref<10240x128xf32, #tpu.memory_space<vmem_shared>> -> memref<64x128xf32, #tpu.memory_space<vmem_shared>>
        tpu.wait_dma2 semaphore(%run_scoped3A : memref<!tpu.dma_semaphore, #tpu.memory_space<semaphore_mem>>) src(%dma_wait3A_31 : memref<64x128xf32, #tpu.memory_space<vmem_shared>>) dst(%arg9 : memref<64x128xf32, #tpu.memory_space<vmem>>)
        tpu.yield
      }) : () -> ()
      "tpu.region"() ({
        %run_scoped3A = tpu.sem_alloc : memref<!tpu.dma_semaphore, #tpu.memory_space<semaphore_mem>>
        %dma_start3A = arith.constant 0 : i32
        %dma_start3A_26 = tpu.memref_slice %arg6[%arg0, %add3A_25, %dma_start3A] : memref<2x10240x128xf32, #tpu.memory_space<hbm>> -> memref<1x64x128xf32, #tpu.memory_space<hbm>>
        %dma_start3A_27 = tpu.memref_squeeze %dma_start3A_26 : memref<1x64x128xf32, #tpu.memory_space<hbm>> -> memref<64x128xf32, #tpu.memory_space<hbm>>
        %dma_start3A_28 = arith.constant 0 : i32
        %dma_start3A_29 = tpu.memref_slice %arg6[%arg0, %add3A_25, %dma_start3A_28] : memref<2x10240x128xf32, #tpu.memory_space<hbm>> -> memref<1x64x128xf32, #tpu.memory_space<hbm>>
        %dma_start3A_30 = tpu.memref_squeeze %dma_start3A_29 : memref<1x64x128xf32, #tpu.memory_space<hbm>> -> memref<64x128xf32, #tpu.memory_space<hbm>>
        tpu.enqueue_dma source(%arg9 : memref<64x128xf32, #tpu.memory_space<vmem>>) target(%dma_start3A_30 : memref<64x128xf32, #tpu.memory_space<hbm>>) target_semaphore(%run_scoped3A : memref<!tpu.dma_semaphore, #tpu.memory_space<semaphore_mem>>)
        %dma_wait3A = arith.constant 0 : i32
        %dma_wait3A_31 = tpu.memref_slice %arg6[%arg0, %add3A_25, %dma_wait3A] : memref<2x10240x128xf32, #tpu.memory_space<hbm>> -> memref<1x64x128xf32, #tpu.memory_space<hbm>>
        %dma_wait3A_32 = tpu.memref_squeeze %dma_wait3A_31 : memref<1x64x128xf32, #tpu.memory_space<hbm>> -> memref<64x128xf32, #tpu.memory_space<hbm>>
        %dma_wait3A_33 = arith.constant 0 : i32
        %dma_wait3A_34 = tpu.memref_slice %arg6[%arg0, %add3A_25, %dma_wait3A_33] : memref<2x10240x128xf32, #tpu.memory_space<hbm>> -> memref<1x64x128xf32, #tpu.memory_space<hbm>>
        %dma_wait3A_35 = tpu.memref_squeeze %dma_wait3A_34 : memref<1x64x128xf32, #tpu.memory_space<hbm>> -> memref<64x128xf32, #tpu.memory_space<hbm>>
        tpu.wait_dma2 semaphore(%run_scoped3A : memref<!tpu.dma_semaphore, #tpu.memory_space<semaphore_mem>>) src(%arg9 : memref<64x128xf32, #tpu.memory_space<vmem>>) dst(%dma_wait3A_35 : memref<64x128xf32, #tpu.memory_space<hbm>>)
        tpu.yield
      }) : () -> ()
    }
    %scan3A_17 = arith.constant 10 : i32
    return
  }
}

module attributes {stable_mosaic.version = 14 : i64} {
  func.func @_norm_body(%arg0: i32, %arg1: memref<2x512x128xf32, #tpu.memory_space<vmem>>, %arg2: memref<4x32x128xf32, #tpu.memory_space<vmem>>, %arg3: memref<512x128xf32, #tpu.memory_space<vmem>>) attributes {dimension_semantics = [#tpu.dimension_semantics<arbitrary>], iteration_bounds = array<i64: 20>, scalar_prefetch = 0 : i64, scratch_operands = 0 : i64, tpu.core_type = #tpu.core_type<tc>, window_params = [{transform_indices = @transform_0, window_bounds = array<i64: 2, 512, 128>}, {transform_indices = @transform_1, window_bounds = array<i64: 4, 32, 128>}, {transform_indices = @transform_2, window_bounds = array<i64: 512, 128>}]} {
    %get3A = arith.constant 0 : index
    %get3A_0 = arith.constant 0 : index
    %get3A_1 = arith.constant 0 : index
    %get3A_2 = vector.load %arg1[%get3A, %get3A_0, %get3A_1] : memref<2x512x128xf32, #tpu.memory_space<vmem>>, vector<1x512x128xf32>
    %get3A_3 = vector.shape_cast %get3A_2 : vector<1x512x128xf32> to vector<512x128xf32>
    %get3A_4 = arith.constant 1 : index
    %get3A_5 = arith.constant 0 : index
    %get3A_6 = arith.constant 0 : index
    %get3A_7 = vector.load %arg1[%get3A_4, %get3A_5, %get3A_6] : memref<2x512x128xf32, #tpu.memory_space<vmem>>, vector<1x512x128xf32>
    %get3A_8 = vector.shape_cast %get3A_7 : vector<1x512x128xf32> to vector<512x128xf32>
    %add3A = arith.addf %get3A_3, %get3A_8 : vector<512x128xf32>
    %get3A_9 = arith.constant 0 : index
    %get3A_10 = arith.constant 0 : index
    %get3A_11 = arith.constant 0 : index
    %get3A_12 = vector.load %arg2[%get3A_9, %get3A_10, %get3A_11] : memref<4x32x128xf32, #tpu.memory_space<vmem>>, vector<4x32x128xf32>
    %reduce_sum3A = arith.constant dense<0.000000e+00> : vector<4x128xf32>
    %reduce_sum3A_13 = vector.multi_reduction <add>, %get3A_12, %reduce_sum3A [1] : vector<4x32x128xf32> to vector<4x128xf32>
    %gt3A = arith.constant 0.000000e+00 : f32
    %gt3A_14 = vector.broadcast %gt3A : f32 to vector<4x128xf32>
    %gt3A_15 = arith.cmpf ogt, %reduce_sum3A_13, %gt3A_14 : vector<4x128xf32>
    %div3A = arith.constant 1.000000e+00 : f32
    %div3A_16 = vector.broadcast %div3A : f32 to vector<4x128xf32>
    %div3A_17 = arith.divf %div3A_16, %reduce_sum3A_13 : vector<4x128xf32>
    %jit3A = arith.constant 0.000000e+00 : f32
    %broadcast_in_dim3A = vector.broadcast %jit3A : f32 to vector<4x128xf32>
    %select_n3A = arith.select %gt3A_15, %div3A_17, %broadcast_in_dim3A : vector<4x128xi1>, vector<4x128xf32>
    %transpose3A = tpu.transpose %select_n3A, [1, 0] : vector<4x128xf32> -> vector<128x4xf32>
    %slice3A = vector.extract_strided_slice %transpose3A {offsets = [0, 0], sizes = [128, 1], strides = [1, 1]} : vector<128x4xf32> to vector<128x1xf32>
    %slice3A_18 = vector.extract_strided_slice %transpose3A {offsets = [0, 1], sizes = [128, 1], strides = [1, 1]} : vector<128x4xf32> to vector<128x1xf32>
    %slice3A_19 = vector.extract_strided_slice %transpose3A {offsets = [0, 2], sizes = [128, 1], strides = [1, 1]} : vector<128x4xf32> to vector<128x1xf32>
    %slice3A_20 = vector.extract_strided_slice %transpose3A {offsets = [0, 3], sizes = [128, 1], strides = [1, 1]} : vector<128x4xf32> to vector<128x1xf32>
    %concatenate3A = tpu.concatenate %slice3A, %slice3A_18, %slice3A_19, %slice3A_20 in 0 : vector<128x1xf32>, vector<128x1xf32>, vector<128x1xf32>, vector<128x1xf32> -> vector<512x1xf32>
    %mul3A = vector.broadcast %concatenate3A : vector<512x1xf32> to vector<512x128xf32>
    %mul3A_21 = arith.mulf %add3A, %mul3A : vector<512x128xf32>
    %swap3A = arith.constant 0 : index
    %swap3A_22 = arith.constant 0 : index
    %swap3A_23 = vector.load %arg3[%swap3A, %swap3A_22] : memref<512x128xf32, #tpu.memory_space<vmem>>, vector<512x128xf32>
    tpu.vector_store %arg3[%swap3A, %swap3A_22], %mul3A_21 {strides = array<i32>} : memref<512x128xf32, #tpu.memory_space<vmem>>, vector<512x128xf32>,
    return
  }
  func.func @transform_0(%arg0: i32) -> (i32, i32, i32) {
    %c0_i32 = arith.constant 0 : i32
    %c0_i32_0 = arith.constant 0 : i32
    %c0_i32_1 = arith.constant 0 : i32
    return %c0_i32, %arg0, %c0_i32_0 : i32, i32, i32
  }
  func.func @transform_1(%arg0: i32) -> (i32, i32, i32) {
    %c0_i32 = arith.constant 0 : i32
    %c0_i32_0 = arith.constant 0 : i32
    %c0_i32_1 = arith.constant 0 : i32
    return %arg0, %c0_i32, %c0_i32_0 : i32, i32, i32
  }
  func.func @transform_2(%arg0: i32) -> (i32, i32) {
    %c0_i32 = arith.constant 0 : i32
    %c0_i32_0 = arith.constant 0 : i32
    return %arg0, %c0_i32 : i32, i32
  }
}

</mosaic_0001>

<sc_bundles>
// kernel: kernel.10.cloned.1.call-start
scs
__scs_entry_jumppad:
0x0: {  	(pc) =	sbr.rel $0x88, $3  }
0x1: {  	(tag) =	ssettag $0x0;
	lr =	simm.s32 $0x1  }
0x2: {  	[smem:$0x3F9F] =	sst lr;
	_ =	strace $0xD0000000  }
0x3: {  	_ = 	snop  }
0x4: {  	_ = 	snop  }
0x5: {  	_ = 	snop  }
0x6: {  	_ = 	snop  }
0x7: {  	_ = 	snop  }
__scs_overlays_trampoline_lowered:
0x8: {  	[smem:$0x3FAE] =	sst s0  }
0x9: {  	[smem:$0x3FAF] =	sst s1  }
0xa: {  	[smem:$0x3FB0] =	sst s2  }
0xb: {  	[smem:$0x3FB1] =	sst s3  }
0xc: {  	[smem:$0x3FB2] =	sst s4  }
0xd: {  	[smem:$0x3FB3] =	sst s5  }
0xe: {  	[smem:$0x3FB4] =	sst s6  }
0xf: {  	[smem:$0x3FB5] =	sst s7  }
0x10: {  	[smem:$0x3FB6] =	sst s8  }
0x11: {  	[smem:$0x3FB7] =	sst s9;
	s0 =	simm.s32 @!p0 $0x0  }
0x12: {  	s1 =	sld [smem:$0x3F9D];
	s0 =	simm.s32 @p0 $0x1  }
0x13: {  	[smem:$0x3FB8] =	sst s0;
	s0 =	simm.s32 @!p1 $0x0  }
0x14: {  	s2 =	sld [smem:$0x3F9C];
	s0 =	simm.s32 @p1 $0x1  }
0x15: {  	[smem:$0x3FB9] =	sst s0;
	s0 =	simm.s32 @!p2 $0x0  }
0x16: {  	s3 =	sld [smem:$0x3FDB];
	s0 =	simm.s32 @p2 $0x1  }
0x17: {  	s4 =	simm.s32 $0x1BF5;
	[smem:$0x3FBB] =	sst s0  }
0x18: {  	s0 =	sld [smem:$0x3F9E];
	_ =	swait.ge [sflag:s4], $0x0  }
0x19: {  	s7 =	sld [smem:$0x3F9F]  }
0x1a: {  	s8 =	sadd.s32 $0xFFFFE003, lr  }
0x1b: {  	s9 =	sadd.s32 $0xFFFFFEF7, lr;
	s5 =	simm.s32 $0xFFFFFFFF;
	p2 =	slt.u32 s8, $0xFFFFF086  }
0x1c: {  	p1 =	slt.u32 s9, $0xF7A;
	s5 =	simm.s32 @!p2 $0x0  }
0x1d: {  	s5 =	simm.s32 @p1 $0x1;
	p0 =	seq.s32 s7, s2  }
0x1e: {  	s7 =	smul.u32 @!p0 $0xF7A, s2;
	p2 =	seq.s32 @!p0 s5, $0x0  }
0x1f: {  	s9 =	smul.u32 $0xF7A, s1;
	s8 =	simm.s32 @!p0 $0x1BF5;
	p2 =	por !p2, p0  }
0x20: {  	[sflag:s8] =	ssyncset.s32 @!p0 $0xFFFFF086;
	s6 =	sadd.s32 @!p0 s3, s7;
	s7 =	simm.s32 @!p0 $0x108  }
0x21: {  	s3 =	sadd.s32 s3, s9;
	s6 =	sadd.s32 @!p0 $0x88, s6;
	s7 =	simm.s32 @p2 $0x1082  }
0x22: {  	[simem:s7], [sflag:s8] =	dma.local @!p0 [hbm:s6], $0xF7A  }
0x23: {  	s9 =	sor.u32 $0xD0000000, s2;
	s6 =	simm.s32 $0x108;
	_ =	swait.ge @!p0 [sflag:s8], $0x0  }
0x24: {  	s3 =	sadd.s32 $0x88, s3;
	s6 =	simm.s32 @!p1 $0x1082;
	[sflag:s4] =	ssyncset.s32 $0xFFFFF086  }
0x25: {  	[simem:s6], [sflag:s4] =	dma.local [hbm:s3], $0xF7A  }
0x26: {  	[smem:$0x3F9F] =	sst s1;
	(tag) =	ssettag s2;
	_ =	strace s9  }
0x27: {  	s1 =	sld [smem:$0x3FAF]  }
0x28: {  	s2 =	sld [smem:$0x3FB0]  }
0x29: {  	s4 =	sld [smem:$0x3FB2]  }
0x2a: {  	p0 =	seq.s32 s5, $0x0;
	s5 =	sld [smem:$0x3FB3]  }
0x2b: {  	s6 =	sld [smem:$0x3FB4]  }
0x2c: {  	s7 =	sld [smem:$0x3FB5]  }
0x2d: {  	s3 =	simm.s32 $0x108;
	s8 =	sld [smem:$0x3FB6]  }
0x2e: {  	s3 =	simm.s32 @!p0 $0x1082;
	s9 =	sld [smem:$0x3FB7]  }
0x2f: {  	lr =	sadd.s32 s0, s3;
	s0 =	sld [smem:$0x3FAE]  }
0x30: {  	s3 =	sld [smem:$0x3FB1]  }
0x31: {  	[smem:$0x3FBA] =	sst s10  }
0x32: {  	s10 =	sld [smem:$0x3FB8];
	_ =	sdelay $0x3  }
0x33: {  	p0 =	seq.s32 s10, $0x1;
	s10 =	sld [smem:$0x3FBA];
	_ =	sdelay $0x3  }
0x34: {  	[smem:$0x3FBA] =	sst s10  }
0x35: {  	s10 =	sld [smem:$0x3FB9];
	_ =	sdelay $0x3  }
0x36: {  	p1 =	seq.s32 s10, $0x1;
	s10 =	sld [smem:$0x3FBA];
	_ =	sdelay $0x3  }
0x37: {  	[smem:$0x3FBA] =	sst s10  }
0x38: {  	s10 =	sld [smem:$0x3FBB]  }
0x39: {  	_ = 	snop;
	(pc) =	sbr.ind lr, $3  }
0x3a: {  	_ = 	snop  }
0x3b: {  	_ = 	snop  }
0x3c: {  	p2 =	seq.s32 s10, $0x1;
	s10 =	sld [smem:$0x3FBA]  }
0x3d: {  	_ =	shalt  }
0x3e: {  	_ =	shalt  }
0x3f: {  	_ =	shalt  }
0x40: {  	_ =	shalt  }
0x41: {  	_ =	shalt  }
0x42: {  	_ =	shalt  }
0x43: {  	_ =	shalt  }
0x44: {  	_ =	shalt  }
0x45: {  	_ =	shalt  }
0x46: {  	_ =	shalt  }
0x47: {  	_ =	shalt  }
0x48: {  	_ =	shalt  }
0x49: {  	_ =	shalt  }
0x4a: {  	_ =	shalt  }
0x4b: {  	_ =	shalt  }
0x4c: {  	_ =	shalt  }
0x4d: {  	_ =	shalt  }
0x4e: {  	_ =	shalt  }
0x4f: {  	_ =	shalt  }
0x50: {  	_ =	shalt  }
0x51: {  	_ =	shalt  }
0x52: {  	_ =	shalt  }
0x53: {  	_ =	shalt  }
0x54: {  	_ =	shalt  }
0x55: {  	_ =	shalt  }
0x56: {  	_ =	shalt  }
0x57: {  	_ =	shalt  }
0x58: {  	_ =	shalt  }
0x59: {  	_ =	shalt  }
0x5a: {  	_ =	shalt  }
0x5b: {  	_ =	shalt  }
0x5c: {  	_ =	shalt  }
0x5d: {  	_ =	shalt  }
0x5e: {  	_ =	shalt  }
0x5f: {  	_ =	shalt  }
0x60: {  	_ =	shalt  }
0x61: {  	_ =	shalt  }
0x62: {  	_ =	shalt  }
0x63: {  	_ =	shalt  }
0x64: {  	_ =	shalt  }
0x65: {  	_ =	shalt  }
0x66: {  	_ =	shalt  }
0x67: {  	_ =	shalt  }
0x68: {  	_ =	shalt  }
0x69: {  	_ =	shalt  }
0x6a: {  	_ =	shalt  }
0x6b: {  	_ =	shalt  }
0x6c: {  	_ =	shalt  }
0x6d: {  	_ =	shalt  }
0x6e: {  	_ =	shalt  }
0x6f: {  	_ =	shalt  }
0x70: {  	_ =	shalt  }
0x71: {  	_ =	shalt  }
0x72: {  	_ =	shalt  }
0x73: {  	_ =	shalt  }
0x74: {  	_ =	shalt  }
0x75: {  	_ =	shalt  }
0x76: {  	_ =	shalt  }
0x77: {  	_ =	shalt  }
0x78: {  	_ =	shalt  }
0x79: {  	_ =	shalt  }
0x7a: {  	_ =	shalt  }
0x7b: {  	_ =	shalt  }
0x7c: {  	_ =	shalt  }
0x7d: {  	_ =	shalt  }
0x7e: {  	_ =	shalt  }
0x7f: {  	_ =	shalt  }
0x80: {  	_ =	shalt  }
0x81: {  	_ =	shalt  }
0x82: {  	_ =	shalt  }
0x83: {  	_ =	shalt  }
0x84: {  	_ =	shalt  }
0x85: {  	_ =	shalt  }
0x86: {  	_ =	shalt  }
0x87: {  	_ =	shalt  }
.Lfunc_end0:
.L_simem_size_0:
called_computation.1_lowered:
.L_overlay_start_0:
0x88: {  	s2 =	sld [smem:$0x3FD9]  }
0x89: {  	s3 =	sld [smem:$0x3FFE];
	_ =	sdelay $0x1  }
0x8a: {  	s1 =	srdreg.scid  }
0x8b: {  	s0 =	sand.u32 $0x1, s1  }
0x8c: {  	s17 =	sshll.u32 s0, $0xA;
	s2 =	sadd.s32 s3, s2  }
0x8d: {  	s2 =	sadd.s32 s2, s17  }
0x8e: {  	[smem:$0x3FC6] =	sst s2  }
0x8f: {  	_ = 	snop  }
0x90: {  	s18 =	sld [smem:$0x3FC9]  }
0x91: {  	s4 =	sld [smem:$0x3FD0];
	(tm) =	ssettm $0x1  }
0x92: {  	s19 =	sld [smem:$0x3FFB];
	_ =	sdelay $0x3  }
0x93: {  	_ =	strace s19  }
0x94: {  	s2 =	sld [smem:$0x3FFC];
	_ =	sdelay $0x3  }
0x95: {  	_ =	strace s2  }
0x96: {  	s2 =	sld [smem:$0x3FFD];
	_ =	sdelay $0x3  }
0x97: {  	_ =	strace s2  }
0x98: {  	_ =	strace $0x8FFFFFFF  }
0x99: {  	s20 =	sld [smem:$0x3FDB];
	_ =	sdelay $0x1  }
0x9a: {  	s5 =	simm.s32 $_scs_section_size  }
0x9b: {  	s6 =	simm.s32 $_size__tile_overlayer_lowered;
	s7 =	simm.s32 $_tile_overlayer_lowered  }
0x9c: {  	s8 =	simm.s32 $0x1BFF;
	s21 =	sshll.u32 s7, $0x1;
	s5 =	sadd.s32 s5, s20  }
0x9d: {  	s22 =	simm.s32 $0x0;
	s6 =	sshll.u32 s6, $0x1;
	s7 =	sadd.s32 s21, s5  }
0x9e: {  	[timem:s22], [sflag:s8] =	dma.local [hbm:s7], s6  }
0x9f: {  	_ =	swait.ge [sflag:s8], s6  }
0xa0: {  	s6 =	ssub.s32 $0x0, s6;
	[sflag:s8] =	ssyncset.done $0x0  }
0xa1: {  	[sflag:s8] =	ssyncadd.s32 s6;
	_ =	sdelay $0x1  }
0xa2: {  	s23 =	simm.s32 $0x1B8B  }
0xa3: {  	_ =	swait.ge [sflag:s23], $0x1  }
0xa4: {  	[sflag:s23] =	ssyncset.done $0x0  }
0xa5: {  	[sflag:s23] =	ssyncadd.s32 $0xFFFFFFFF  }
0xa6: {  	s6 =	sld [smem:$0x0]  }
0xa7: {  	s7 =	sand.u32 $0xFFFFFFFE, s1  }
0xa8: {  	p0 =	sne.s32 s1, s7  }
0xa9: {  	s7 =	sshll.u32 @p0 s7, $0xE  }
0xaa: {  	s7 =	sadd.s32 @p0 $0x11B8D, s7;
	s8 =	sshll.u32 @p0 s6, $0x11  }
0xab: {  	s7 =	sor.u32 @p0 s8, s7  }
0xac: {  	[sflag:s7] =	ssyncadd.remote.s32 @p0 $0x1;
	_ =	sdelay $0x1  }
0xad: {  	s7 =	simm.s32 @p0 $0x1B8D  }
0xae: {  	_ =	swait.eq @p0 [sflag:s7], $0x1  }
0xaf: {  	[sflag:s7] =	ssyncadd.s32 @p0 $0xFFFFFFFF  }
0xb0: {  	s8 =	sshll.u32 @!p0 s1, $0xE  }
0xb1: {  	s8 =	sor.u32 @!p0 $0x4000, s8;
	s7 =	simm.s32 @!p0 $0x1B8D  }
0xb2: {  	s6 =	sshll.u32 @!p0 s6, $0x11;
	s8 =	sadd.s32 @!p0 $0x11B8D, s8;
	_ =	swait.eq @!p0 [sflag:s7], $0x1  }
0xb3: {  	s6 =	sor.u32 @!p0 s6, s8;
	[sflag:s7] =	ssyncadd.s32 @!p0 $0xFFFFFFFF  }
0xb4: {  	s25 =	simm.s32 $0x1B8E;
	s24 =	sld [smem:$0x3FFE];
	[sflag:s6] =	ssyncadd.remote.s32 @!p0 $0x1  }
0xb5: {  	s26 =	simm.s32 $execute0_lowered;
	[smem:$0x3FD2] =	sst s25  }
0xb6: {  	s7 =	sshll.u32 s26, $0x1;
	_ =	strace $0x80000049;
	[dreg:$0x1] =	wrdreg $0xFFFFFFFF  }
0xb7: {  	s28 =	simm.s32 $_size_execute0_lowered;
	s5 =	sadd.s32 s5, s7;
	[dreg:$0x0] =	wrdreg $0x0  }
0xb8: {  	s7 =	sshll.u32 s28, $0x1;
	[dreg:$0x2] =	wrdreg s5  }
0xb9: {  	[dreg:$0x3] =	wrdreg s7  }
0xba: {  	[dreg:$0x4] =	wrdreg $0xC0  }
0xbb: {  	_ =	task [dreg:s22], $0x5FFFF  }
0xbc: {  	[dreg:$0x1] =	wrdreg $0xFFFFFFFF  }
0xbd: {  	[dreg:$0x0] =	wrdreg $0x60  }
0xbe: {  	[dreg:$0x2] =	wrdreg s18  }
0xbf: {  	[dreg:$0x3] =	wrdreg s4  }
0xc0: {  	[dreg:$0x4] =	wrdreg s24  }
0xc1: {  	[dreg:$0x5] =	wrdreg $0xA0000  }
0xc2: {  	[dreg:$0x6] =	wrdreg $0xA  }
0xc3: {  	_ =	task.clear_ibuf [dreg:s22], $0x7FFFF;
	_ =	strace $0x90000049  }
0xc4: {  	s29 =	simm.s32 $0xA;
	_ =	strace $0x8000004B  }
0xc5: {  	_ =	swait.ge [sflag:s29], $0x1  }
0xc6: {  	[sflag:s29] =	ssyncadd.s32 $0xFFFFFFFF  }
0xc7: {  	_ =	strace $0x9000004B  }
0xc8: {  	_ =	sfence  }
0xc9: {  	s30 =	sld [smem:$0x0];
	_ =	sdelay $0x2  }
0xca: {  	s31 =	sshll.u32 s1, $0xD;
	s1 =	sshrl.u32 s1, $0x2  }
0xcb: {  	s4 =	sand.u32 $0x4000, s31;
	s1 =	sadd.s32 s1, s30  }
0xcc: {  	s0 =	sor.u32 s4, s0;
	s1 =	sshll.u32 s1, $0x11  }
0xcd: {  	s0 =	sor.u32 s1, s0  }
0xce: {  	s0 =	sadd.s32 $0x8F2B, s0  }
0xcf: {  	[sflag:s0] =	ssyncadd.remote.s32 $0x1  }
0xd0: {  	_ =	sfence.sel $0xFFFF  }
0xd1: {  	[dreg:$0x0] =	wrdreg $0xFFFFFFFF;
	(pc) =	sbr.abs _section_cstart, $3  }
0xd2: {  	[dreg:$0x1] =	wrdreg $0xFFFFFFFF  }
0xd3: {  	_ =	task.clear_ibuf [dreg:s22], $0x2FFFF;
	_ =	strace $0x9FFFFFFF  }
0xd4: {  	(tm) =	ssettm $0x7FFFFFFF  }
0xd5: {  	_ =	shalt  }
tec
execute0_lowered:
.L_overlay_start_1:
0x0: {  	(tag) =	ssettag $0x1  }
0x1: {  	s1 =	rddreg [dreg:$0x0]  }
0x2: {  	s0 =	rddreg [dreg:$0x2]  }
0x3: {  	s3 =	srdreg.scid;
	s2 =	simm.s32 $0x0;
	s16 =	stileid.u32  }
0x4: {  	s3 =	sand.u32 $0x1, s3;
	[smem:$0x7FF] =	sst s2;
	s5 =	smul.u32 $0x14000, s16  }
0x5: {  	s6 =	sadd.s32 $0x3E000, s0;
	s13 =	sshll.u32 s16, $0x1;
	s16 =	smul.u32 $0x50000, s16  }
0x6: {  	s4 =	ssub.s32 $0x2, s3;
	s8 =	smul.u32 $0x140000, s3;
	s3 =	sor.u32 s3, s13  }
0x7: {  	s13 =	rddreg [dreg:$0x3];
	s7 =	sshrl.u32 s4, $0x1;
	s9 =	sor.u32 $0x2000, s5  }
0x8: {  	s11 =	sadd.s32 $0x4000, s5;
	s26 =	sshrl.u32 s16, $0x2;
	s14 =	sadd.s32 s8, s5  }
0x9: {  	s4 =	ssub.s32 s4, s7;
	s10 =	sadd.s32 s8, s9;
	s7 =	sshrl.u32 s14, $0x3  }
0xa: {  	s17 =	sadd.s32 s8, s11;
	s10 =	sshrl.u32 s10, $0x3;
	s7 =	sadd.s32 s6, s7  }
0xb: {  	s14 =	sadd.s32 $0x8000, s5;
	s15 =	sadd.s32 s6, s10;
	[dreg:$0x5] =	wrdreg s7  }
0xc: {  	s10 =	sadd.s32 $0x6000, s5;
	s12 =	sadd.s32 s8, s14;
	[dreg:$0x6] =	wrdreg s15  }
0xd: {  	s7 =	sshrl.u32 s17, $0x3;
	s18 =	sadd.s32 s8, s10;
	s12 =	sshrl.u32 s12, $0x3  }
0xe: {  	s15 =	sadd.s32 $0xA000, s5;
	s17 =	sadd.s32 $0xC000, s5;
	s7 =	sadd.s32 s6, s7  }
0xf: {  	s19 =	sadd.s32 s6, s12;
	[dreg:$0x7] =	wrdreg s7;
	s7 =	sshrl.u32 s18, $0x3  }
0x10: {  	s20 =	sadd.s32 s8, s15;
	s21 =	sadd.s32 s8, s17;
	s7 =	sadd.s32 s6, s7  }
0x11: {  	[dreg:$0x8] =	wrdreg s7;
	s7 =	sshrl.u32 s20, $0x3;
	s20 =	sadd.s32 $0xE000, s5  }
0x12: {  	[dreg:$0x9] =	wrdreg s19;
	s7 =	sadd.s32 s6, s7;
	s22 =	sadd.s32 s8, s20  }
0x13: {  	[dreg:$0xa] =	wrdreg s7;
	s7 =	sshrl.u32 s21, $0x3;
	s12 =	sshrl.u32 s22, $0x3  }
0x14: {  	s21 =	sadd.s32 $0x10000, s5;
	s5 =	sadd.s32 $0x12000, s5;
	s7 =	sadd.s32 s6, s7  }
0x15: {  	s23 =	sadd.s32 s6, s12;
	s24 =	sadd.s32 s8, s21;
	s12 =	rddreg [dreg:$0x1]  }
0x16: {  	s8 =	sadd.s32 s8, s5;
	[dreg:$0xb] =	wrdreg s7;
	s7 =	sshrl.u32 s24, $0x3  }
0x17: {  	[dreg:$0xc] =	wrdreg s23;
	s25 =	sshrl.u32 s8, $0x3;
	s7 =	sadd.s32 s6, s7  }
0x18: {  	s16 =	sadd.s32 $0x29C00, s0;
	s6 =	sadd.s32 s6, s25;
	[dreg:$0xd] =	wrdreg s7  }
0x19: {  	s0 =	sadd.s32 $0x3DC00, s0;
	s19 =	smul.u32 $0x5000, s3;
	[dreg:$0xe] =	wrdreg s6  }
0x1a: {  	s3 =	smax.u32 s4, $0x1;
	_ =	strace $0x8000004A;
	[dreg:$0xf] =	wrdreg s0  }
0x1b: {  	s4 =	sadd.s32 s9, s13;
	[dreg:$0x10] =	wrdreg s3  }
0x1c: {  	s6 =	sadd.s32 s11, s13;
	[dreg:$0x11] =	wrdreg s4  }
0x1d: {  	s7 =	sadd.s32 s10, s13;
	[dreg:$0x12] =	wrdreg s6  }
0x1e: {  	s8 =	sadd.s32 s14, s13;
	[dreg:$0x13] =	wrdreg s7  }
0x1f: {  	s9 =	sadd.s32 s15, s13;
	[dreg:$0x14] =	wrdreg s8  }
0x20: {  	s10 =	sadd.s32 s17, s13;
	[dreg:$0x15] =	wrdreg s9  }
0x21: {  	s11 =	sadd.s32 s20, s13;
	[dreg:$0x16] =	wrdreg s10  }
0x22: {  	s14 =	sadd.s32 s21, s13;
	[dreg:$0x17] =	wrdreg s11  }
0x23: {  	s18 =	sadd.s32 s26, s13;
	s15 =	sadd.s32 s5, s13;
	[dreg:$0x18] =	wrdreg s14  }
0x24: {  	s17 =	sadd.s32 $0x2000, s18;
	[dreg:$0x19] =	wrdreg s15  }
0x25: {  	s20 =	sadd.s32 $0x4000, s18;
	[dreg:$0x1a] =	wrdreg s17  }
0x26: {  	s21 =	sadd.s32 $0x6000, s18;
	[dreg:$0x1b] =	wrdreg s20  }
0x27: {  	s22 =	sadd.s32 $0x8000, s18;
	[dreg:$0x1c] =	wrdreg s21  }
0x28: {  	s23 =	sadd.s32 $0xA000, s18;
	[dreg:$0x1d] =	wrdreg s22  }
0x29: {  	s28 =	simm.s32 $0x1080;
	s24 =	sadd.s32 $0xC000, s18;
	[dreg:$0x1e] =	wrdreg s23  }
0x2a: {  	s29 =	simm.s32 $0x3;
	s25 =	sadd.s32 $0xE000, s18;
	[dreg:$0x1f] =	wrdreg s24  }
0x2b: {  	s30 =	simm.s32 $0x1100;
	s26 =	sadd.s32 $0x10000, s18;
	[smem:$0x7FC] =	sst s25  }
0x2c: {  	s31 =	simm.s32 $0x4;
	[smem:$0x7FD] =	sst s26;
	s8 =	sadd.s32 $0x12000, s18  }
0x2d: {  	s9 =	simm.s32 $0x2000;
	s10 =	simm.s32 $0x6;
	s14 =	simm.s32 $0x1000  }
0x2e: {  	s15 =	simm.s32 $0x40;
	s17 =	simm.s32 $0x80;
	s20 =	simm.s32 $0x4000  }
0x2f: {  	s21 =	simm.s32 $0x100;
	s22 =	simm.s32 $0x6000;
	s23 =	simm.s32 $0x180  }
0x30: {  	s24 =	simm.s32 $0x8000;
	s25 =	simm.s32 $0x1;
	s26 =	simm.s32 $0x2  }
0x31: {  	s11 =	simm.s32 $0x1180;
	s0 =	simm.s32 $0x5;
	s3 =	simm.s32 $0x0  }
.LBB2_1:
0x32: {  	s4 =	rddreg [dreg:$0xf]  }
0x33: {  	[tilespmem:s9], [sflag:$0x6] =	stream.linear.gather [hbm4b:s4+s2], $0x2000, $0x38;
	[tilespmem:$0x1E000] =	vst v63  }
0x34: {  	_ =	swait.ge [sflag:s10], $0x2000  }
0x35: {  	[sflag:s10] =	ssyncset.done $0x0  }
0x36: {  	[sflag:s10] =	ssyncadd.s32 $0xFFFFE000  }
0x37: {  	[spmem:s18] =	stream.linear.scatter [tilespmem:s9], [sflag:$0x6], $0x2000, $0x38;
	[tilespmem:$0x1E000] =	vst v63  }
0x38: {  	_ =	swait.ge [sflag:s10], $0x2000  }
0x39: {  	[sflag:s10] =	ssyncset.done $0x0  }
0x3a: {  	s6 =	rddreg [dreg:$0x1a];
	[sflag:s10] =	ssyncadd.s32 $0xFFFFE000  }
0x3b: {  	[spmem:s6] =	stream.linear.scatter [tilespmem:s9], [sflag:$0x6], $0x2000, $0x38;
	[tilespmem:$0x1E000] =	vst v63  }
0x3c: {  	_ =	swait.ge [sflag:s10], $0x2000  }
0x3d: {  	[sflag:s10] =	ssyncset.done $0x0  }
0x3e: {  	s7 =	rddreg [dreg:$0x1b];
	[sflag:s10] =	ssyncadd.s32 $0xFFFFE000  }
0x3f: {  	[spmem:s7] =	stream.linear.scatter [tilespmem:s9], [sflag:$0x6], $0x2000, $0x38;
	[tilespmem:$0x1E000] =	vst v63  }
0x40: {  	_ =	swait.ge [sflag:s10], $0x2000  }
0x41: {  	[sflag:s10] =	ssyncset.done $0x0  }
0x42: {  	s5 =	rddreg [dreg:$0x1c];
	[sflag:s10] =	ssyncadd.s32 $0xFFFFE000  }
0x43: {  	[spmem:s5] =	stream.linear.scatter [tilespmem:s9], [sflag:$0x6], $0x2000, $0x38;
	[tilespmem:$0x1E000] =	vst v63  }
0x44: {  	_ =	swait.ge [sflag:s10], $0x2000  }
0x45: {  	[sflag:s10] =	ssyncset.done $0x0  }
0x46: {  	s6 =	rddreg [dreg:$0x1d];
	[sflag:s10] =	ssyncadd.s32 $0xFFFFE000  }
0x47: {  	[spmem:s6] =	stream.linear.scatter [tilespmem:s9], [sflag:$0x6], $0x2000, $0x38;
	[tilespmem:$0x1E000] =	vst v63  }
0x48: {  	_ =	swait.ge [sflag:s10], $0x2000  }
0x49: {  	[sflag:s10] =	ssyncset.done $0x0  }
0x4a: {  	s7 =	rddreg [dreg:$0x1e];
	[sflag:s10] =	ssyncadd.s32 $0xFFFFE000  }
0x4b: {  	[spmem:s7] =	stream.linear.scatter [tilespmem:s9], [sflag:$0x6], $0x2000, $0x38;
	[tilespmem:$0x1E000] =	vst v63  }
0x4c: {  	_ =	swait.ge [sflag:s10], $0x2000  }
0x4d: {  	[sflag:s10] =	ssyncset.done $0x0  }
0x4e: {  	s5 =	rddreg [dreg:$0x1f];
	[sflag:s10] =	ssyncadd.s32 $0xFFFFE000  }
0x4f: {  	[spmem:s5] =	stream.linear.scatter [tilespmem:s9], [sflag:$0x6], $0x2000, $0x38;
	[tilespmem:$0x1E000] =	vst v63  }
0x50: {  	_ =	swait.ge [sflag:s10], $0x2000  }
0x51: {  	s6 =	sld [smem:$0x7FC]  }
0x52: {  	[sflag:s10] =	ssyncset.done $0x0  }
0x53: {  	[sflag:s10] =	ssyncadd.s32 $0xFFFFE000  }
0x54: {  	[spmem:s6] =	stream.linear.scatter [tilespmem:s9], [sflag:$0x6], $0x2000, $0x38;
	[tilespmem:$0x1E000] =	vst v63  }
0x55: {  	_ =	swait.ge [sflag:s10], $0x2000  }
0x56: {  	s7 =	sld [smem:$0x7FD]  }
0x57: {  	[sflag:s10] =	ssyncset.done $0x0  }
0x58: {  	[sflag:s10] =	ssyncadd.s32 $0xFFFFE000  }
0x59: {  	[spmem:s7] =	stream.linear.scatter [tilespmem:s9], [sflag:$0x6], $0x2000, $0x38;
	[tilespmem:$0x1E000] =	vst v63  }
0x5a: {  	_ =	swait.ge [sflag:s10], $0x2000  }
0x5b: {  	[sflag:s10] =	ssyncset.done $0x0  }
0x5c: {  	[sflag:s10] =	ssyncadd.s32 $0xFFFFE000  }
0x5d: {  	[spmem:s8] =	stream.linear.scatter [tilespmem:s9], [sflag:$0x6], $0x2000, $0x38;
	[tilespmem:$0x1E000] =	vst v63  }
0x5e: {  	_ =	swait.ge [sflag:s10], $0x2000  }
0x5f: {  	[sflag:s10] =	ssyncset.done $0x0  }
0x60: {  	[sflag:s10] =	ssyncadd.s32 $0xFFFFE000  }
0x61: {  	s4 =	simm.s32 $0x0;
	[bflag:$0x0] =	sbarrier.arrive $0xFFFF  }
.LBB2_2:
0x62: {  	s5 =	sshll.u32 s4, $0xC  }
0x63: {  	s5 =	sadd.s32 s19, s5  }
0x64: {  	s5 =	sshrl.u32 s5, $0x3  }
0x65: {  	s7 =	simm.s32 $0x0;
	s6 =	sadd.s32 s12, s5  }
0x66: {  	[tilespmem:s7], [sflag:$0x6] =	stream.linear.gather [hbm4b:s6+s7], $0x1000, $0x38;
	[tilespmem:$0x1E000] =	vst v63  }
0x67: {  	_ =	swait.ge [sflag:s10], $0x1000  }
0x68: {  	[sflag:s10] =	ssyncset.done $0x0  }
0x69: {  	s5 =	sadd.s32 s16, s5;
	[sflag:s10] =	ssyncadd.s32 $0xFFFFF000  }
0x6a: {  	[tilespmem:s14], [sflag:$0x6] =	stream.linear.gather [hbm4b:s5+s7], $0x1000, $0x38;
	[tilespmem:$0x1E000] =	vst v63  }
0x6b: {  	_ =	swait.ge [sflag:s10], $0x1000  }
0x6c: {  	[sflag:s10] =	ssyncset.done $0x0  }
0x6d: {  	[sflag:s10] =	ssyncadd.s32 $0xFFFFF000  }
0x6e: {  	[tilespmem:s9], [sflag:$0x1] =	stream.indirect.gather [hbm4b:s1+s15], $0x80, s7, s15, $0xb8;
	[tilespmem:$0x1E000] =	vst v63  }
0x6f: {  	_ = 	snop  }
0x70: {  	[tilespmem:s20], [sflag:$0x2] =	stream.indirect.gather [hbm4b:s1+s15], $0x80, s17, s15, $0xb8;
	[tilespmem:$0x1E000] =	vst v63  }
0x71: {  	_ = 	snop  }
0x72: {  	[tilespmem:s22], [sflag:$0x3] =	stream.indirect.gather [hbm4b:s1+s15], $0x80, s21, s15, $0xb8;
	[tilespmem:$0x1E000] =	vst v63  }
0x73: {  	_ = 	snop  }
0x74: {  	[tilespmem:s24], [sflag:$0x4] =	stream.indirect.gather [hbm4b:s1+s15], $0x80, s23, s15, $0xb8;
	[tilespmem:$0x1E000] =	vst v63  }
0x75: {  	_ =	swait.ge [sflag:s25], $0x2000  }
0x76: {  	[sflag:s25] =	ssyncset.done $0x0  }
0x77: {  	[sflag:s25] =	ssyncadd.s32 $0xFFFFE000  }
0x78: {  	[spmem:s13] =	stream.indirect.scatter.add.f32 [tilespmem:s9], [sflag:$0x5], $0x80, s14, s15, $0xb8;
	[tilespmem:$0x1E000] =	vst v63  }
0x79: {  	_ =	swait.ge [sflag:s26], $0x2000  }
0x7a: {  	[sflag:s26] =	ssyncset.done $0x0  }
0x7b: {  	[sflag:s26] =	ssyncadd.s32 $0xFFFFE000  }
0x7c: {  	[spmem:s13] =	stream.indirect.scatter.add.f32 [tilespmem:s20], [sflag:$0x5], $0x80, s28, s15, $0xb8;
	[tilespmem:$0x1E000] =	vst v63  }
0x7d: {  	_ =	swait.ge [sflag:s29], $0x2000  }
0x7e: {  	[sflag:s29] =	ssyncset.done $0x0  }
0x7f: {  	[sflag:s29] =	ssyncadd.s32 $0xFFFFE000  }
0x80: {  	[spmem:s13] =	stream.indirect.scatter.add.f32 [tilespmem:s22], [sflag:$0x5], $0x80, s30, s15, $0xb8;
	[tilespmem:$0x1E000] =	vst v63  }
0x81: {  	_ =	swait.ge [sflag:s31], $0x2000  }
0x82: {  	[sflag:s31] =	ssyncset.done $0x0  }
0x83: {  	[sflag:s31] =	ssyncadd.s32 $0xFFFFE000  }
0x84: {  	[spmem:s13] =	stream.indirect.scatter.add.f32 [tilespmem:s24], [sflag:$0x5], $0x80, s11, s15, $0xb8;
	[tilespmem:$0x1E000] =	vst v63  }
0x85: {  	_ =	swait.ge [sflag:s0], $0x2000  }
0x86: {  	[sflag:s0] =	ssyncset.done $0x0  }
0x87: {  	[sflag:s0] =	ssyncadd.s32 $0xFFFFE000  }
0x88: {  	_ =	swait.ge [sflag:s0], $0x2000  }
0x89: {  	[sflag:s0] =	ssyncset.done $0x0  }
0x8a: {  	[sflag:s0] =	ssyncadd.s32 $0xFFFFE000  }
0x8b: {  	_ =	swait.ge [sflag:s0], $0x2000  }
0x8c: {  	[sflag:s0] =	ssyncset.done $0x0  }
0x8d: {  	[sflag:s0] =	ssyncadd.s32 $0xFFFFE000  }
0x8e: {  	_ =	swait.ge [sflag:s0], $0x2000  }
0x8f: {  	[sflag:s0] =	ssyncset.done $0x0  }
0x90: {  	s7 =	simm.s32 $0x200;
	[sflag:s0] =	ssyncadd.s32 $0xFFFFE000  }
0x91: {  	[tilespmem:s9], [sflag:$0x1] =	stream.indirect.gather [hbm4b:s1+s15], $0x80, s7, s15, $0xb8;
	[tilespmem:$0x1E000] =	vst v63  }
0x92: {  	s6 =	simm.s32 $0x280  }
0x93: {  	[tilespmem:s20], [sflag:$0x2] =	stream.indirect.gather [hbm4b:s1+s15], $0x80, s6, s15, $0xb8;
	[tilespmem:$0x1E000] =	vst v63  }
0x94: {  	s7 =	simm.s32 $0x300  }
0x95: {  	[tilespmem:s22], [sflag:$0x3] =	stream.indirect.gather [hbm4b:s1+s15], $0x80, s7, s15, $0xb8;
	[tilespmem:$0x1E000] =	vst v63  }
0x96: {  	s6 =	simm.s32 $0x380  }
0x97: {  	[tilespmem:s24], [sflag:$0x4] =	stream.indirect.gather [hbm4b:s1+s15], $0x80, s6, s15, $0xb8;
	[tilespmem:$0x1E000] =	vst v63  }
0x98: {  	_ =	swait.ge [sflag:s25], $0x2000  }
0x99: {  	[sflag:s25] =	ssyncset.done $0x0  }
0x9a: {  	s7 =	simm.s32 $0x1200;
	[sflag:s25] =	ssyncadd.s32 $0xFFFFE000  }
0x9b: {  	[spmem:s13] =	stream.indirect.scatter.add.f32 [tilespmem:s9], [sflag:$0x5], $0x80, s7, s15, $0xb8;
	[tilespmem:$0x1E000] =	vst v63  }
0x9c: {  	_ =	swait.ge [sflag:s26], $0x2000  }
0x9d: {  	[sflag:s26] =	ssyncset.done $0x0  }
0x9e: {  	s6 =	simm.s32 $0x1280;
	[sflag:s26] =	ssyncadd.s32 $0xFFFFE000  }
0x9f: {  	[spmem:s13] =	stream.indirect.scatter.add.f32 [tilespmem:s20], [sflag:$0x5], $0x80, s6, s15, $0xb8;
	[tilespmem:$0x1E000] =	vst v63  }
0xa0: {  	_ =	swait.ge [sflag:s29], $0x2000  }
0xa1: {  	[sflag:s29] =	ssyncset.done $0x0  }
0xa2: {  	s7 =	simm.s32 $0x1300;
	[sflag:s29] =	ssyncadd.s32 $0xFFFFE000  }
0xa3: {  	[spmem:s13] =	stream.indirect.scatter.add.f32 [tilespmem:s22], [sflag:$0x5], $0x80, s7, s15, $0xb8;
	[tilespmem:$0x1E000] =	vst v63  }
0xa4: {  	_ =	swait.ge [sflag:s31], $0x2000  }
0xa5: {  	[sflag:s31] =	ssyncset.done $0x0  }
0xa6: {  	s5 =	simm.s32 $0x800;
	s6 =	simm.s32 $0x1380;
	[sflag:s31] =	ssyncadd.s32 $0xFFFFE000  }
.LBB2_3:
0xa7: {  	[spmem:s13] =	stream.indirect.scatter.add.f32 [tilespmem:s24], [sflag:$0x5], $0x80, s6, s15, $0xb8;
	[tilespmem:$0x1E000] =	vst v63  }
0xa8: {  	s6 =	smov.u32 s5  }
0xa9: {  	p0 =	sne.s32 s5, $0x3000;
	s5 =	sadd.s32 $0x800, s5;
	_ =	swait.ge [sflag:s0], $0x2000  }
0xaa: {  	[sflag:s0] =	ssyncset.done $0x0  }
0xab: {  	[sflag:s0] =	ssyncadd.s32 $0xFFFFE000  }
0xac: {  	_ =	swait.ge [sflag:s0], $0x2000  }
0xad: {  	[sflag:s0] =	ssyncset.done $0x0  }
0xae: {  	[sflag:s0] =	ssyncadd.s32 $0xFFFFE000  }
0xaf: {  	_ =	swait.ge [sflag:s0], $0x2000  }
0xb0: {  	[sflag:s0] =	ssyncset.done $0x0  }
0xb1: {  	[sflag:s0] =	ssyncadd.s32 $0xFFFFE000  }
0xb2: {  	_ =	swait.ge [sflag:s0], $0x2000  }
0xb3: {  	s6 =	sshra.s32 s6, $0x2;
	[sflag:s0] =	ssyncset.done $0x0  }
0xb4: {  	s7 =	sadd.s32 $0x200, s6;
	[sflag:s0] =	ssyncadd.s32 $0xFFFFE000  }
0xb5: {  	[tilespmem:s9], [sflag:$0x1] =	stream.indirect.gather [hbm4b:s1+s15], $0x80, s7, s15, $0xb8;
	[tilespmem:$0x1E000] =	vst v63  }
0xb6: {  	s7 =	sadd.s32 $0x280, s6  }
0xb7: {  	[tilespmem:s20], [sflag:$0x2] =	stream.indirect.gather [hbm4b:s1+s15], $0x80, s7, s15, $0xb8;
	[tilespmem:$0x1E000] =	vst v63  }
0xb8: {  	s7 =	sadd.s32 $0x300, s6  }
0xb9: {  	[tilespmem:s22], [sflag:$0x3] =	stream.indirect.gather [hbm4b:s1+s15], $0x80, s7, s15, $0xb8;
	[tilespmem:$0x1E000] =	vst v63  }
0xba: {  	s7 =	sadd.s32 $0x380, s6  }
0xbb: {  	[tilespmem:s24], [sflag:$0x4] =	stream.indirect.gather [hbm4b:s1+s15], $0x80, s7, s15, $0xb8;
	[tilespmem:$0x1E000] =	vst v63  }
0xbc: {  	_ =	swait.ge [sflag:s25], $0x2000  }
0xbd: {  	[sflag:s25] =	ssyncset.done $0x0  }
0xbe: {  	s7 =	sadd.s32 $0x1200, s6;
	[sflag:s25] =	ssyncadd.s32 $0xFFFFE000  }
0xbf: {  	[spmem:s13] =	stream.indirect.scatter.add.f32 [tilespmem:s9], [sflag:$0x5], $0x80, s7, s15, $0xb8;
	[tilespmem:$0x1E000] =	vst v63  }
0xc0: {  	_ =	swait.ge [sflag:s26], $0x2000  }
0xc1: {  	[sflag:s26] =	ssyncset.done $0x0  }
0xc2: {  	s7 =	sadd.s32 $0x1280, s6;
	[sflag:s26] =	ssyncadd.s32 $0xFFFFE000  }
0xc3: {  	[spmem:s13] =	stream.indirect.scatter.add.f32 [tilespmem:s20], [sflag:$0x5], $0x80, s7, s15, $0xb8;
	[tilespmem:$0x1E000] =	vst v63  }
0xc4: {  	_ =	swait.ge [sflag:s29], $0x2000  }
0xc5: {  	[sflag:s29] =	ssyncset.done $0x0  }
.Ltmp0:
0xc6: {  	s7 =	sadd.s32 $0x1300, s6;
	[sflag:s29] =	ssyncadd.s32 $0xFFFFE000;
	(pc) =	sbr.rel @p0 .LBB2_3-.Ltmp0, $4  }
0xc7: {  	[spmem:s13] =	stream.indirect.scatter.add.f32 [tilespmem:s22], [sflag:$0x5], $0x80, s7, s15, $0xb8;
	[tilespmem:$0x1E000] =	vst v63  }
0xc8: {  	_ =	swait.ge [sflag:s31], $0x2000  }
0xc9: {  	[sflag:s31] =	ssyncset.done $0x0  }
0xca: {  	s6 =	sadd.s32 $0x1380, s6;
	[sflag:s31] =	ssyncadd.s32 $0xFFFFE000  }
0xcb: {  	[spmem:s13] =	stream.indirect.scatter.add.f32 [tilespmem:s24], [sflag:$0x5], $0x80, s6, s15, $0xb8;
	[tilespmem:$0x1E000] =	vst v63  }
0xcc: {  	_ =	swait.ge [sflag:s0], $0x2000  }
0xcd: {  	[sflag:s0] =	ssyncset.done $0x0  }
0xce: {  	[sflag:s0] =	ssyncadd.s32 $0xFFFFE000  }
0xcf: {  	_ =	swait.ge [sflag:s0], $0x2000  }
0xd0: {  	[sflag:s0] =	ssyncset.done $0x0  }
0xd1: {  	s4 =	sadd.s32 $0x1, s4;
	[sflag:s0] =	ssyncadd.s32 $0xFFFFE000  }
0xd2: {  	p0 =	sne.s32 s4, $0x5;
	_ =	swait.ge [sflag:s0], $0x2000  }
.Ltmp1:
0xd3: {  	[sflag:s0] =	ssyncset.done $0x0;
	(pc) =	sbr.rel @p0 .LBB2_2-.Ltmp1, $4  }
0xd4: {  	[sflag:s0] =	ssyncadd.s32 $0xFFFFE000  }
0xd5: {  	_ =	swait.ge [sflag:s0], $0x2000  }
0xd6: {  	[sflag:s0] =	ssyncset.done $0x0  }
0xd7: {  	[sflag:s0] =	ssyncadd.s32 $0xFFFFE000  }
0xd8: {  	[bflag:$0x0] =	sbarrier.arrive $0xFFFF  }
0xd9: {  	[tilespmem:s9], [sflag:$0x6] =	stream.linear.gather [spmem:s18], $0x2000, $0x38;
	[tilespmem:$0x1E000] =	vst v63  }
0xda: {  	_ =	swait.ge [sflag:s10], $0x2000  }
0xdb: {  	[sflag:s10] =	ssyncset.done $0x0  }
0xdc: {  	s4 =	rddreg [dreg:$0x5];
	[sflag:s10] =	ssyncadd.s32 $0xFFFFE000  }
0xdd: {  	[hbm4b:s4+s2] =	stream.linear.scatter [tilespmem:s9], [sflag:$0x6], $0x2000, $0x38;
	[tilespmem:$0x1E000] =	vst v63  }
0xde: {  	_ =	swait.ge [sflag:s10], $0x2000  }
0xdf: {  	[sflag:s10] =	ssyncset.done $0x0  }
0xe0: {  	s7 =	rddreg [dreg:$0x11];
	[sflag:s10] =	ssyncadd.s32 $0xFFFFE000  }
0xe1: {  	[tilespmem:s9], [sflag:$0x6] =	stream.linear.gather [spmem:s7], $0x2000, $0x38;
	[tilespmem:$0x1E000] =	vst v63  }
0xe2: {  	_ =	swait.ge [sflag:s10], $0x2000  }
0xe3: {  	[sflag:s10] =	ssyncset.done $0x0  }
0xe4: {  	s5 =	rddreg [dreg:$0x6];
	[sflag:s10] =	ssyncadd.s32 $0xFFFFE000  }
0xe5: {  	[hbm4b:s5+s2] =	stream.linear.scatter [tilespmem:s9], [sflag:$0x6], $0x2000, $0x38;
	[tilespmem:$0x1E000] =	vst v63  }
0xe6: {  	_ =	swait.ge [sflag:s10], $0x2000  }
0xe7: {  	[sflag:s10] =	ssyncset.done $0x0  }
0xe8: {  	s6 =	rddreg [dreg:$0x12];
	[sflag:s10] =	ssyncadd.s32 $0xFFFFE000  }
0xe9: {  	[tilespmem:s9], [sflag:$0x6] =	stream.linear.gather [spmem:s6], $0x2000, $0x38;
	[tilespmem:$0x1E000] =	vst v63  }
0xea: {  	_ =	swait.ge [sflag:s10], $0x2000  }
0xeb: {  	[sflag:s10] =	ssyncset.done $0x0  }
0xec: {  	s7 =	rddreg [dreg:$0x7];
	[sflag:s10] =	ssyncadd.s32 $0xFFFFE000  }
0xed: {  	[hbm4b:s7+s2] =	stream.linear.scatter [tilespmem:s9], [sflag:$0x6], $0x2000, $0x38;
	[tilespmem:$0x1E000] =	vst v63  }
0xee: {  	_ =	swait.ge [sflag:s10], $0x2000  }
0xef: {  	[sflag:s10] =	ssyncset.done $0x0  }
0xf0: {  	s5 =	rddreg [dreg:$0x13];
	[sflag:s10] =	ssyncadd.s32 $0xFFFFE000  }
0xf1: {  	[tilespmem:s9], [sflag:$0x6] =	stream.linear.gather [spmem:s5], $0x2000, $0x38;
	[tilespmem:$0x1E000] =	vst v63  }
0xf2: {  	_ =	swait.ge [sflag:s10], $0x2000  }
0xf3: {  	[sflag:s10] =	ssyncset.done $0x0  }
0xf4: {  	s6 =	rddreg [dreg:$0x8];
	[sflag:s10] =	ssyncadd.s32 $0xFFFFE000  }
0xf5: {  	[hbm4b:s6+s2] =	stream.linear.scatter [tilespmem:s9], [sflag:$0x6], $0x2000, $0x38;
	[tilespmem:$0x1E000] =	vst v63  }
0xf6: {  	_ =	swait.ge [sflag:s10], $0x2000  }
0xf7: {  	[sflag:s10] =	ssyncset.done $0x0  }
0xf8: {  	s7 =	rddreg [dreg:$0x14];
	[sflag:s10] =	ssyncadd.s32 $0xFFFFE000  }
0xf9: {  	[tilespmem:s9], [sflag:$0x6] =	stream.linear.gather [spmem:s7], $0x2000, $0x38;
	[tilespmem:$0x1E000] =	vst v63  }
0xfa: {  	_ =	swait.ge [sflag:s10], $0x2000  }
0xfb: {  	[sflag:s10] =	ssyncset.done $0x0  }
0xfc: {  	s5 =	rddreg [dreg:$0x9];
	[sflag:s10] =	ssyncadd.s32 $0xFFFFE000  }
0xfd: {  	[hbm4b:s5+s2] =	stream.linear.scatter [tilespmem:s9], [sflag:$0x6], $0x2000, $0x38;
	[tilespmem:$0x1E000] =	vst v63  }
0xfe: {  	_ =	swait.ge [sflag:s10], $0x2000  }
0xff: {  	[sflag:s10] =	ssyncset.done $0x0  }
0x100: {  	s6 =	rddreg [dreg:$0x15];
	[sflag:s10] =	ssyncadd.s32 $0xFFFFE000  }
0x101: {  	[tilespmem:s9], [sflag:$0x6] =	stream.linear.gather [spmem:s6], $0x2000, $0x38;
	[tilespmem:$0x1E000] =	vst v63  }
0x102: {  	_ =	swait.ge [sflag:s10], $0x2000  }
0x103: {  	[sflag:s10] =	ssyncset.done $0x0  }
0x104: {  	s7 =	rddreg [dreg:$0xa];
	[sflag:s10] =	ssyncadd.s32 $0xFFFFE000  }
0x105: {  	[hbm4b:s7+s2] =	stream.linear.scatter [tilespmem:s9], [sflag:$0x6], $0x2000, $0x38;
	[tilespmem:$0x1E000] =	vst v63  }
0x106: {  	_ =	swait.ge [sflag:s10], $0x2000  }
0x107: {  	[sflag:s10] =	ssyncset.done $0x0  }
0x108: {  	s5 =	rddreg [dreg:$0x16];
	[sflag:s10] =	ssyncadd.s32 $0xFFFFE000  }
0x109: {  	[tilespmem:s9], [sflag:$0x6] =	stream.linear.gather [spmem:s5], $0x2000, $0x38;
	[tilespmem:$0x1E000] =	vst v63  }
0x10a: {  	_ =	swait.ge [sflag:s10], $0x2000  }
0x10b: {  	[sflag:s10] =	ssyncset.done $0x0  }
0x10c: {  	s6 =	rddreg [dreg:$0xb];
	[sflag:s10] =	ssyncadd.s32 $0xFFFFE000  }
0x10d: {  	[hbm4b:s6+s2] =	stream.linear.scatter [tilespmem:s9], [sflag:$0x6], $0x2000, $0x38;
	[tilespmem:$0x1E000] =	vst v63  }
0x10e: {  	_ =	swait.ge [sflag:s10], $0x2000  }
0x10f: {  	[sflag:s10] =	ssyncset.done $0x0  }
0x110: {  	s7 =	rddreg [dreg:$0x17];
	[sflag:s10] =	ssyncadd.s32 $0xFFFFE000  }
0x111: {  	[tilespmem:s9], [sflag:$0x6] =	stream.linear.gather [spmem:s7], $0x2000, $0x38;
	[tilespmem:$0x1E000] =	vst v63  }
0x112: {  	_ =	swait.ge [sflag:s10], $0x2000  }
0x113: {  	[sflag:s10] =	ssyncset.done $0x0  }
0x114: {  	s5 =	rddreg [dreg:$0xc];
	[sflag:s10] =	ssyncadd.s32 $0xFFFFE000  }
0x115: {  	[hbm4b:s5+s2] =	stream.linear.scatter [tilespmem:s9], [sflag:$0x6], $0x2000, $0x38;
	[tilespmem:$0x1E000] =	vst v63  }
0x116: {  	_ =	swait.ge [sflag:s10], $0x2000  }
0x117: {  	[sflag:s10] =	ssyncset.done $0x0  }
0x118: {  	s6 =	rddreg [dreg:$0x18];
	[sflag:s10] =	ssyncadd.s32 $0xFFFFE000  }
0x119: {  	[tilespmem:s9], [sflag:$0x6] =	stream.linear.gather [spmem:s6], $0x2000, $0x38;
	[tilespmem:$0x1E000] =	vst v63  }
0x11a: {  	_ =	swait.ge [sflag:s10], $0x2000  }
0x11b: {  	[sflag:s10] =	ssyncset.done $0x0  }
0x11c: {  	s7 =	rddreg [dreg:$0xd];
	[sflag:s10] =	ssyncadd.s32 $0xFFFFE000  }
0x11d: {  	[hbm4b:s7+s2] =	stream.linear.scatter [tilespmem:s9], [sflag:$0x6], $0x2000, $0x38;
	[tilespmem:$0x1E000] =	vst v63  }
0x11e: {  	_ =	swait.ge [sflag:s10], $0x2000  }
0x11f: {  	[sflag:s10] =	ssyncset.done $0x0  }
0x120: {  	s5 =	rddreg [dreg:$0x19];
	[sflag:s10] =	ssyncadd.s32 $0xFFFFE000  }
0x121: {  	[tilespmem:s9], [sflag:$0x6] =	stream.linear.gather [spmem:s5], $0x2000, $0x38;
	[tilespmem:$0x1E000] =	vst v63  }
0x122: {  	_ =	swait.ge [sflag:s10], $0x2000  }
0x123: {  	[sflag:s10] =	ssyncset.done $0x0  }
0x124: {  	s6 =	rddreg [dreg:$0xe];
	[sflag:s10] =	ssyncadd.s32 $0xFFFFE000  }
0x125: {  	[hbm4b:s6+s2] =	stream.linear.scatter [tilespmem:s9], [sflag:$0x6], $0x2000, $0x38;
	[tilespmem:$0x1E000] =	vst v63  }
0x126: {  	_ =	swait.ge [sflag:s10], $0x2000  }
0x127: {  	s3 =	sadd.s32 $0x1, s3;
	s7 =	rddreg [dreg:$0x10]  }
0x128: {  	p0 =	sne.s32 s3, s7  }
.Ltmp2:
0x129: {  	_ = 	snop;
	(pc) =	sbr.rel @p0 .LBB2_1-.Ltmp2, $3  }
0x12a: {  	_ =	sdelay $0x1  }
0x12b: {  	[sflag:s10] =	ssyncset.done $0x0  }
0x12c: {  	[sflag:s10] =	ssyncadd.s32 $0xFFFFE000  }
0x12d: {  	_ =	sfence.sel $0x180000  }
0x12e: {  	[bflag:$0x0] =	sbarrier.arrive $0xFFFF  }
0x12f: {  	_ =	strace $0x9000004A  }
0x130: {  	s0 =	stileid.u32;
	[bflag:$0x2] =	sbarrier.arrive $0xFFFF  }
0x131: {  	p0 =	sne.s32 s0, $0x0;
	s0 =	rddreg [dreg:$0x4]  }
0x132: {  	s0 =	sadd.s32 @!p0 $0x100000, s0  }
0x133: {  	[sflag:s0] =	ssyncadd.tile.s32 @!p0 $0x1;
	_ =	shalt  }
.Lfunc_end2:
_tile_overlayer_lowered:
.L_overlay_start_2:
0x134: {  	(tag) =	ssettag $0x2  }
0x135: {  	s0 =	rddreg [dreg:$0x0];
	s2 =	stileid.u32  }
0x136: {  	s1 =	rddreg [dreg:$0x1];
	p0 =	sne.s32 s2, $0x0  }
0x137: {  	s3 =	rddreg [dreg:$0x2];
	[bflag:$0x3] =	sbarrier.arrive $0xFFFF;
	s2 =	simm.s32 @!p0 $0x1C06  }
0x138: {  	[timem:s3], [sflag:s2] =	dma.local @!p0 [hbm:s0], s1  }
0x139: {  	s0 =	simm.s32 @!p0 $0x6  }
0x13a: {  	_ =	swait.ge @!p0 [sflag:s0], s1  }
0x13b: {  	s1 =	ssub.s32 @!p0 $0x0, s1;
	[sflag:s0] =	ssyncset.done @!p0 $0x0  }
0x13c: {  	[sflag:s0] =	ssyncadd.s32 @!p0 s1  }
0x13d: {  	[bflag:$0x3] =	sbarrier.arrive $0xFFFF  }
0x13e: {  	_ =	shalt  }

// kernel: kernel.13.cloned.1.call-start
scs
__scs_entry_jumppad:
0x0: {  	(pc) =	sbr.rel $0x88, $3  }
0x1: {  	(tag) =	ssettag $0x0;
	lr =	simm.s32 $0x1  }
0x2: {  	[smem:$0x3F9F] =	sst lr;
	_ =	strace $0xD0000000  }
0x3: {  	_ = 	snop  }
0x4: {  	_ = 	snop  }
0x5: {  	_ = 	snop  }
0x6: {  	_ = 	snop  }
0x7: {  	_ = 	snop  }
__scs_overlays_trampoline_lowered:
0x8: {  	[smem:$0x3FAE] =	sst s0  }
0x9: {  	[smem:$0x3FAF] =	sst s1  }
0xa: {  	[smem:$0x3FB0] =	sst s2  }
0xb: {  	[smem:$0x3FB1] =	sst s3  }
0xc: {  	[smem:$0x3FB2] =	sst s4  }
0xd: {  	[smem:$0x3FB3] =	sst s5  }
0xe: {  	[smem:$0x3FB4] =	sst s6  }
0xf: {  	[smem:$0x3FB5] =	sst s7  }
0x10: {  	[smem:$0x3FB6] =	sst s8  }
0x11: {  	[smem:$0x3FB7] =	sst s9;
	s0 =	simm.s32 @!p0 $0x0  }
0x12: {  	s1 =	sld [smem:$0x3F9D];
	s0 =	simm.s32 @p0 $0x1  }
0x13: {  	[smem:$0x3FB8] =	sst s0;
	s0 =	simm.s32 @!p1 $0x0  }
0x14: {  	s2 =	sld [smem:$0x3F9C];
	s0 =	simm.s32 @p1 $0x1  }
0x15: {  	[smem:$0x3FB9] =	sst s0;
	s0 =	simm.s32 @!p2 $0x0  }
0x16: {  	s3 =	sld [smem:$0x3FDB];
	s0 =	simm.s32 @p2 $0x1  }
0x17: {  	s4 =	simm.s32 $0x1BF5;
	[smem:$0x3FBB] =	sst s0  }
0x18: {  	s0 =	sld [smem:$0x3F9E];
	_ =	swait.ge [sflag:s4], $0x0  }
0x19: {  	s7 =	sld [smem:$0x3F9F]  }
0x1a: {  	s8 =	sadd.s32 $0xFFFFE003, lr  }
0x1b: {  	s9 =	sadd.s32 $0xFFFFFEF7, lr;
	s5 =	simm.s32 $0xFFFFFFFF;
	p2 =	slt.u32 s8, $0xFFFFF086  }
0x1c: {  	p1 =	slt.u32 s9, $0xF7A;
	s5 =	simm.s32 @!p2 $0x0  }
0x1d: {  	s5 =	simm.s32 @p1 $0x1;
	p0 =	seq.s32 s7, s2  }
0x1e: {  	s7 =	smul.u32 @!p0 $0xF7A, s2;
	p2 =	seq.s32 @!p0 s5, $0x0  }
0x1f: {  	s9 =	smul.u32 $0xF7A, s1;
	s8 =	simm.s32 @!p0 $0x1BF5;
	p2 =	por !p2, p0  }
0x20: {  	[sflag:s8] =	ssyncset.s32 @!p0 $0xFFFFF086;
	s6 =	sadd.s32 @!p0 s3, s7;
	s7 =	simm.s32 @!p0 $0x108  }
0x21: {  	s3 =	sadd.s32 s3, s9;
	s6 =	sadd.s32 @!p0 $0x88, s6;
	s7 =	simm.s32 @p2 $0x1082  }
0x22: {  	[simem:s7], [sflag:s8] =	dma.local @!p0 [hbm:s6], $0xF7A  }
0x23: {  	s9 =	sor.u32 $0xD0000000, s2;
	s6 =	simm.s32 $0x108;
	_ =	swait.ge @!p0 [sflag:s8], $0x0  }
0x24: {  	s3 =	sadd.s32 $0x88, s3;
	s6 =	simm.s32 @!p1 $0x1082;
	[sflag:s4] =	ssyncset.s32 $0xFFFFF086  }
0x25: {  	[simem:s6], [sflag:s4] =	dma.local [hbm:s3], $0xF7A  }
0x26: {  	[smem:$0x3F9F] =	sst s1;
	(tag) =	ssettag s2;
	_ =	strace s9  }
0x27: {  	s1 =	sld [smem:$0x3FAF]  }
0x28: {  	s2 =	sld [smem:$0x3FB0]  }
0x29: {  	s4 =	sld [smem:$0x3FB2]  }
0x2a: {  	p0 =	seq.s32 s5, $0x0;
	s5 =	sld [smem:$0x3FB3]  }
0x2b: {  	s6 =	sld [smem:$0x3FB4]  }
0x2c: {  	s7 =	sld [smem:$0x3FB5]  }
0x2d: {  	s3 =	simm.s32 $0x108;
	s8 =	sld [smem:$0x3FB6]  }
0x2e: {  	s3 =	simm.s32 @!p0 $0x1082;
	s9 =	sld [smem:$0x3FB7]  }
0x2f: {  	lr =	sadd.s32 s0, s3;
	s0 =	sld [smem:$0x3FAE]  }
0x30: {  	s3 =	sld [smem:$0x3FB1]  }
0x31: {  	[smem:$0x3FBA] =	sst s10  }
0x32: {  	s10 =	sld [smem:$0x3FB8];
	_ =	sdelay $0x3  }
0x33: {  	p0 =	seq.s32 s10, $0x1;
	s10 =	sld [smem:$0x3FBA];
	_ =	sdelay $0x3  }
0x34: {  	[smem:$0x3FBA] =	sst s10  }
0x35: {  	s10 =	sld [smem:$0x3FB9];
	_ =	sdelay $0x3  }
0x36: {  	p1 =	seq.s32 s10, $0x1;
	s10 =	sld [smem:$0x3FBA];
	_ =	sdelay $0x3  }
0x37: {  	[smem:$0x3FBA] =	sst s10  }
0x38: {  	s10 =	sld [smem:$0x3FBB]  }
0x39: {  	_ = 	snop;
	(pc) =	sbr.ind lr, $3  }
0x3a: {  	_ = 	snop  }
0x3b: {  	_ = 	snop  }
0x3c: {  	p2 =	seq.s32 s10, $0x1;
	s10 =	sld [smem:$0x3FBA]  }
0x3d: {  	_ =	shalt  }
0x3e: {  	_ =	shalt  }
0x3f: {  	_ =	shalt  }
0x40: {  	_ =	shalt  }
0x41: {  	_ =	shalt  }
0x42: {  	_ =	shalt  }
0x43: {  	_ =	shalt  }
0x44: {  	_ =	shalt  }
0x45: {  	_ =	shalt  }
0x46: {  	_ =	shalt  }
0x47: {  	_ =	shalt  }
0x48: {  	_ =	shalt  }
0x49: {  	_ =	shalt  }
0x4a: {  	_ =	shalt  }
0x4b: {  	_ =	shalt  }
0x4c: {  	_ =	shalt  }
0x4d: {  	_ =	shalt  }
0x4e: {  	_ =	shalt  }
0x4f: {  	_ =	shalt  }
0x50: {  	_ =	shalt  }
0x51: {  	_ =	shalt  }
0x52: {  	_ =	shalt  }
0x53: {  	_ =	shalt  }
0x54: {  	_ =	shalt  }
0x55: {  	_ =	shalt  }
0x56: {  	_ =	shalt  }
0x57: {  	_ =	shalt  }
0x58: {  	_ =	shalt  }
0x59: {  	_ =	shalt  }
0x5a: {  	_ =	shalt  }
0x5b: {  	_ =	shalt  }
0x5c: {  	_ =	shalt  }
0x5d: {  	_ =	shalt  }
0x5e: {  	_ =	shalt  }
0x5f: {  	_ =	shalt  }
0x60: {  	_ =	shalt  }
0x61: {  	_ =	shalt  }
0x62: {  	_ =	shalt  }
0x63: {  	_ =	shalt  }
0x64: {  	_ =	shalt  }
0x65: {  	_ =	shalt  }
0x66: {  	_ =	shalt  }
0x67: {  	_ =	shalt  }
0x68: {  	_ =	shalt  }
0x69: {  	_ =	shalt  }
0x6a: {  	_ =	shalt  }
0x6b: {  	_ =	shalt  }
0x6c: {  	_ =	shalt  }
0x6d: {  	_ =	shalt  }
0x6e: {  	_ =	shalt  }
0x6f: {  	_ =	shalt  }
0x70: {  	_ =	shalt  }
0x71: {  	_ =	shalt  }
0x72: {  	_ =	shalt  }
0x73: {  	_ =	shalt  }
0x74: {  	_ =	shalt  }
0x75: {  	_ =	shalt  }
0x76: {  	_ =	shalt  }
0x77: {  	_ =	shalt  }
0x78: {  	_ =	shalt  }
0x79: {  	_ =	shalt  }
0x7a: {  	_ =	shalt  }
0x7b: {  	_ =	shalt  }
0x7c: {  	_ =	shalt  }
0x7d: {  	_ =	shalt  }
0x7e: {  	_ =	shalt  }
0x7f: {  	_ =	shalt  }
0x80: {  	_ =	shalt  }
0x81: {  	_ =	shalt  }
0x82: {  	_ =	shalt  }
0x83: {  	_ =	shalt  }
0x84: {  	_ =	shalt  }
0x85: {  	_ =	shalt  }
0x86: {  	_ =	shalt  }
0x87: {  	_ =	shalt  }
.Lfunc_end0:
.L_simem_size_0:
called_computation.2_lowered:
.L_overlay_start_0:
0x88: {  	s2 =	sld [smem:$0x3FD9]  }
0x89: {  	s3 =	sld [smem:$0x3FFE];
	_ =	sdelay $0x1  }
0x8a: {  	s1 =	srdreg.scid  }
0x8b: {  	s0 =	sand.u32 $0x1, s1  }
0x8c: {  	s16 =	sshll.u32 s0, $0xA;
	s2 =	sadd.s32 s3, s2  }
0x8d: {  	s2 =	sadd.s32 s2, s16  }
0x8e: {  	[smem:$0x3FC6] =	sst s2  }
0x8f: {  	_ = 	snop  }
0x90: {  	(tm) =	ssettm $0x1  }
0x91: {  	s17 =	sld [smem:$0x3FFB];
	_ =	sdelay $0x3  }
0x92: {  	_ =	strace s17  }
0x93: {  	s2 =	sld [smem:$0x3FFC];
	_ =	sdelay $0x3  }
0x94: {  	_ =	strace s2  }
0x95: {  	s2 =	sld [smem:$0x3FFD];
	_ =	sdelay $0x3  }
0x96: {  	_ =	strace s2  }
0x97: {  	_ =	strace $0x8FFFFFFF  }
0x98: {  	s18 =	sld [smem:$0x3FDB];
	_ =	sdelay $0x1  }
0x99: {  	s19 =	simm.s32 $_scs_section_size  }
0x9a: {  	s4 =	simm.s32 $_size__tile_overlayer_lowered;
	s5 =	simm.s32 $_tile_overlayer_lowered  }
0x9b: {  	s22 =	simm.s32 $0x1BFF;
	s21 =	sshll.u32 s5, $0x1;
	s2 =	sadd.s32 s19, s18  }
0x9c: {  	s6 =	simm.s32 $0x0;
	s20 =	sshll.u32 s4, $0x1;
	s4 =	sadd.s32 s21, s2  }
0x9d: {  	[timem:s6], [sflag:s22] =	dma.local [hbm:s4], s20  }
0x9e: {  	_ =	swait.ge [sflag:s22], s20  }
0x9f: {  	s3 =	ssub.s32 $0x0, s20;
	[sflag:s22] =	ssyncset.done $0x0  }
0xa0: {  	[sflag:s22] =	ssyncadd.s32 s3;
	_ =	sdelay $0x1  }
0xa1: {  	s23 =	simm.s32 $0x1B8B  }
0xa2: {  	_ =	swait.ge [sflag:s23], $0x1  }
0xa3: {  	[sflag:s23] =	ssyncset.done $0x0  }
0xa4: {  	s25 =	simm.s32 $0x1B8E;
	s24 =	sld [smem:$0x3FFE];
	[sflag:s23] =	ssyncadd.s32 $0xFFFFFFFF  }
0xa5: {  	s26 =	simm.s32 $execute0_lowered;
	[smem:$0x3FD2] =	sst s25  }
0xa6: {  	s4 =	sshll.u32 s26, $0x1;
	_ =	strace $0x8000004C;
	[dreg:$0x1] =	wrdreg $0xFFFFFFFF  }
0xa7: {  	s28 =	simm.s32 $_size_execute0_lowered;
	s2 =	sadd.s32 s2, s4;
	[dreg:$0x0] =	wrdreg $0x0  }
0xa8: {  	s4 =	sshll.u32 s28, $0x1;
	[dreg:$0x2] =	wrdreg s2  }
0xa9: {  	[dreg:$0x3] =	wrdreg s4  }
0xaa: {  	[dreg:$0x4] =	wrdreg $0xC0  }
0xab: {  	_ =	task [dreg:s6], $0x5FFFF  }
0xac: {  	[dreg:$0x1] =	wrdreg $0xFFFFFFFF  }
0xad: {  	[dreg:$0x0] =	wrdreg $0x60  }
0xae: {  	[dreg:$0x2] =	wrdreg s24  }
0xaf: {  	[dreg:$0x3] =	wrdreg $0xA0000  }
0xb0: {  	[dreg:$0x4] =	wrdreg $0x9  }
0xb1: {  	_ =	task.clear_ibuf [dreg:s6], $0x5FFFF;
	_ =	strace $0x9000004C  }
0xb2: {  	s29 =	simm.s32 $0x9;
	_ =	strace $0x8000004E  }
0xb3: {  	_ =	swait.ge [sflag:s29], $0x1  }
0xb4: {  	[sflag:s29] =	ssyncadd.s32 $0xFFFFFFFF  }
0xb5: {  	_ =	strace $0x9000004E  }
0xb6: {  	_ =	sfence  }
0xb7: {  	s30 =	sld [smem:$0x0];
	_ =	sdelay $0x2  }
0xb8: {  	s31 =	sshll.u32 s1, $0xD;
	s1 =	sshrl.u32 s1, $0x2  }
0xb9: {  	s3 =	sand.u32 $0x4000, s31;
	s1 =	sadd.s32 s1, s30  }
0xba: {  	s0 =	sor.u32 s3, s0;
	s1 =	sshll.u32 s1, $0x11  }
0xbb: {  	s0 =	sor.u32 s1, s0  }
0xbc: {  	s0 =	sadd.s32 $0x8F2B, s0  }
0xbd: {  	[sflag:s0] =	ssyncadd.remote.s32 $0x1  }
0xbe: {  	_ =	sfence.sel $0xFFFF  }
0xbf: {  	[dreg:$0x0] =	wrdreg $0xFFFFFFFF;
	(pc) =	sbr.abs _section_cstart, $3  }
0xc0: {  	[dreg:$0x1] =	wrdreg $0xFFFFFFFF  }
0xc1: {  	_ =	task.clear_ibuf [dreg:s6], $0x2FFFF;
	_ =	strace $0x9FFFFFFF  }
0xc2: {  	(tm) =	ssettm $0x7FFFFFFF  }
0xc3: {  	_ =	shalt  }
tec
execute0_lowered:
.L_overlay_start_1:
0x0: {  	(tag) =	ssettag $0x1  }
0x1: {  	s0 =	rddreg [dreg:$0x0];
	s2 =	srdreg.scid  }
0x2: {  	s1 =	rddreg [dreg:$0x1];
	s15 =	stileid.u32  }
0x3: {  	s3 =	sand.u32 $0x1, s2;
	s2 =	simm.s32 $0x0;
	s6 =	smul.u32 $0x14000, s15  }
0x4: {  	s7 =	sadd.s32 $0xB6000, s0;
	s11 =	sshll.u32 s15, $0x1;
	s25 =	smul.u32 $0x50000, s15  }
0x5: {  	s15 =	sadd.s32 $0xA2000, s0;
	s4 =	smul.u32 $0x140000, s3;
	s5 =	ssub.s32 $0x2, s3  }
0x6: {  	[smem:$0x7FF] =	sst s2;
	s3 =	sor.u32 s3, s11;
	s8 =	sshrl.u32 s5, $0x1  }
0x7: {  	s10 =	sadd.s32 $0x4000, s6;
	s5 =	ssub.s32 s5, s8;
	s9 =	sadd.s32 s4, s6  }
0x8: {  	s11 =	sadd.s32 s4, s10;
	s12 =	sshrl.u32 s9, $0x3;
	s9 =	sor.u32 $0x2000, s6  }
0x9: {  	s14 =	sshrl.u32 s11, $0x3;
	s11 =	sadd.s32 $0x8000, s6;
	s8 =	sadd.s32 s7, s12  }
0xa: {  	s13 =	sadd.s32 s4, s9;
	s12 =	sadd.s32 $0x6000, s6;
	s18 =	sadd.s32 s4, s11  }
0xb: {  	[dreg:$0x3] =	wrdreg s8;
	s8 =	sshrl.u32 s13, $0x3;
	s16 =	sadd.s32 s4, s12  }
0xc: {  	s13 =	sadd.s32 $0xA000, s6;
	s8 =	sadd.s32 s7, s8;
	s17 =	sshrl.u32 s16, $0x3  }
0xd: {  	[dreg:$0x4] =	wrdreg s8;
	s8 =	sadd.s32 s7, s14;
	s14 =	sadd.s32 s4, s13  }
0xe: {  	[dreg:$0x5] =	wrdreg s8;
	s8 =	sadd.s32 s7, s17;
	s17 =	sadd.s32 $0xC000, s6  }
0xf: {  	[dreg:$0x6] =	wrdreg s8;
	s8 =	sshrl.u32 s18, $0x3;
	s20 =	sadd.s32 s4, s17  }
0x10: {  	s19 =	sshrl.u32 s14, $0x3;
	s8 =	sadd.s32 s7, s8;
	s21 =	sshrl.u32 s20, $0x3  }
0x11: {  	s20 =	sadd.s32 $0xE000, s6;
	[dreg:$0x7] =	wrdreg s8;
	s8 =	sadd.s32 s7, s19  }
0x12: {  	s16 =	sadd.s32 $0x8E000, s0;
	s22 =	sadd.s32 s4, s20;
	[dreg:$0x8] =	wrdreg s8  }
0x13: {  	s8 =	sadd.s32 s7, s21;
	s21 =	sadd.s32 $0x10000, s6;
	s6 =	sadd.s32 $0x12000, s6  }
0x14: {  	[dreg:$0x9] =	wrdreg s8;
	s8 =	sshrl.u32 s22, $0x3;
	s23 =	sadd.s32 s4, s21  }
0x15: {  	s4 =	sadd.s32 s4, s6;
	s8 =	sadd.s32 s7, s8;
	s24 =	sshrl.u32 s23, $0x3  }
0x16: {  	s4 =	sshrl.u32 s4, $0x3;
	[dreg:$0xa] =	wrdreg s8;
	s8 =	sadd.s32 s7, s24  }
0x17: {  	s14 =	sadd.s32 $0x3E000, s0;
	s4 =	sadd.s32 s7, s4;
	[dreg:$0xb] =	wrdreg s8  }
0x18: {  	s0 =	sadd.s32 $0x3DC00, s0;
	s19 =	smul.u32 $0x5000, s3;
	[dreg:$0xc] =	wrdreg s4  }
0x19: {  	s3 =	smax.u32 s5, $0x1;
	_ =	strace $0x8000004D;
	[dreg:$0xd] =	wrdreg s0  }
0x1a: {  	s4 =	sadd.s32 s9, s1;
	[dreg:$0xe] =	wrdreg s3  }
0x1b: {  	s5 =	sadd.s32 s10, s1;
	[dreg:$0xf] =	wrdreg s4  }
0x1c: {  	s7 =	sadd.s32 s12, s1;
	[dreg:$0x10] =	wrdreg s5  }
0x1d: {  	s8 =	sadd.s32 s11, s1;
	[dreg:$0x11] =	wrdreg s7  }
0x1e: {  	s9 =	sadd.s32 s13, s1;
	[dreg:$0x12] =	wrdreg s8  }
0x1f: {  	s10 =	sadd.s32 s17, s1;
	[dreg:$0x13] =	wrdreg s9  }
0x20: {  	s11 =	sadd.s32 s20, s1;
	[dreg:$0x14] =	wrdreg s10  }
0x21: {  	s26 =	sshrl.u32 s25, $0x2;
	s12 =	sadd.s32 s21, s1;
	[dreg:$0x15] =	wrdreg s11  }
0x22: {  	s18 =	sadd.s32 s26, s1;
	s13 =	sadd.s32 s6, s1;
	[dreg:$0x16] =	wrdreg s12  }
0x23: {  	s17 =	sadd.s32 $0x2000, s18;
	[dreg:$0x17] =	wrdreg s13  }
0x24: {  	s20 =	sadd.s32 $0x4000, s18;
	[dreg:$0x18] =	wrdreg s17  }
0x25: {  	s21 =	sadd.s32 $0x6000, s18;
	[dreg:$0x19] =	wrdreg s20  }
0x26: {  	s22 =	sadd.s32 $0x8000, s18;
	[dreg:$0x1a] =	wrdreg s21  }
0x27: {  	s23 =	sadd.s32 $0xA000, s18;
	[dreg:$0x1b] =	wrdreg s22  }
0x28: {  	s28 =	simm.s32 $0x1080;
	s24 =	sadd.s32 $0xC000, s18;
	[dreg:$0x1c] =	wrdreg s23  }
0x29: {  	s29 =	simm.s32 $0x3;
	s25 =	sadd.s32 $0xE000, s18;
	[dreg:$0x1d] =	wrdreg s24  }
0x2a: {  	s30 =	simm.s32 $0x1100;
	s26 =	sadd.s32 $0x10000, s18;
	[dreg:$0x1e] =	wrdreg s25  }
0x2b: {  	s31 =	simm.s32 $0x4;
	[dreg:$0x1f] =	wrdreg s26;
	s8 =	sadd.s32 $0x12000, s18  }
0x2c: {  	s9 =	simm.s32 $0x2000;
	s11 =	simm.s32 $0x6;
	s12 =	simm.s32 $0x1000  }
0x2d: {  	s13 =	simm.s32 $0x40;
	s17 =	simm.s32 $0x80;
	s20 =	simm.s32 $0x4000  }
0x2e: {  	s21 =	simm.s32 $0x100;
	s22 =	simm.s32 $0x6000;
	s23 =	simm.s32 $0x180  }
0x2f: {  	s24 =	simm.s32 $0x8000;
	s25 =	simm.s32 $0x1;
	s26 =	simm.s32 $0x2  }
0x30: {  	s10 =	simm.s32 $0x1180;
	s0 =	simm.s32 $0x5;
	s3 =	simm.s32 $0x0  }
.LBB2_1:
0x31: {  	s4 =	rddreg [dreg:$0xd]  }
0x32: {  	[tilespmem:s9], [sflag:$0x6] =	stream.linear.gather [hbm4b:s4+s2], $0x2000, $0x38;
	[tilespmem:$0x1E000] =	vst v63  }
0x33: {  	_ =	swait.ge [sflag:s11], $0x2000  }
0x34: {  	[sflag:s11] =	ssyncset.done $0x0  }
0x35: {  	[sflag:s11] =	ssyncadd.s32 $0xFFFFE000  }
0x36: {  	[spmem:s18] =	stream.linear.scatter [tilespmem:s9], [sflag:$0x6], $0x2000, $0x38;
	[tilespmem:$0x1E000] =	vst v63  }
0x37: {  	_ =	swait.ge [sflag:s11], $0x2000  }
0x38: {  	[sflag:s11] =	ssyncset.done $0x0  }
0x39: {  	s6 =	rddreg [dreg:$0x18];
	[sflag:s11] =	ssyncadd.s32 $0xFFFFE000  }
0x3a: {  	[spmem:s6] =	stream.linear.scatter [tilespmem:s9], [sflag:$0x6], $0x2000, $0x38;
	[tilespmem:$0x1E000] =	vst v63  }
0x3b: {  	_ =	swait.ge [sflag:s11], $0x2000  }
0x3c: {  	[sflag:s11] =	ssyncset.done $0x0  }
0x3d: {  	s7 =	rddreg [dreg:$0x19];
	[sflag:s11] =	ssyncadd.s32 $0xFFFFE000  }
0x3e: {  	[spmem:s7] =	stream.linear.scatter [tilespmem:s9], [sflag:$0x6], $0x2000, $0x38;
	[tilespmem:$0x1E000] =	vst v63  }
0x3f: {  	_ =	swait.ge [sflag:s11], $0x2000  }
0x40: {  	[sflag:s11] =	ssyncset.done $0x0  }
0x41: {  	s5 =	rddreg [dreg:$0x1a];
	[sflag:s11] =	ssyncadd.s32 $0xFFFFE000  }
0x42: {  	[spmem:s5] =	stream.linear.scatter [tilespmem:s9], [sflag:$0x6], $0x2000, $0x38;
	[tilespmem:$0x1E000] =	vst v63  }
0x43: {  	_ =	swait.ge [sflag:s11], $0x2000  }
0x44: {  	[sflag:s11] =	ssyncset.done $0x0  }
0x45: {  	s6 =	rddreg [dreg:$0x1b];
	[sflag:s11] =	ssyncadd.s32 $0xFFFFE000  }
0x46: {  	[spmem:s6] =	stream.linear.scatter [tilespmem:s9], [sflag:$0x6], $0x2000, $0x38;
	[tilespmem:$0x1E000] =	vst v63  }
0x47: {  	_ =	swait.ge [sflag:s11], $0x2000  }
0x48: {  	[sflag:s11] =	ssyncset.done $0x0  }
0x49: {  	s7 =	rddreg [dreg:$0x1c];
	[sflag:s11] =	ssyncadd.s32 $0xFFFFE000  }
0x4a: {  	[spmem:s7] =	stream.linear.scatter [tilespmem:s9], [sflag:$0x6], $0x2000, $0x38;
	[tilespmem:$0x1E000] =	vst v63  }
0x4b: {  	_ =	swait.ge [sflag:s11], $0x2000  }
0x4c: {  	[sflag:s11] =	ssyncset.done $0x0  }
0x4d: {  	s5 =	rddreg [dreg:$0x1d];
	[sflag:s11] =	ssyncadd.s32 $0xFFFFE000  }
0x4e: {  	[spmem:s5] =	stream.linear.scatter [tilespmem:s9], [sflag:$0x6], $0x2000, $0x38;
	[tilespmem:$0x1E000] =	vst v63  }
0x4f: {  	_ =	swait.ge [sflag:s11], $0x2000  }
0x50: {  	[sflag:s11] =	ssyncset.done $0x0  }
0x51: {  	s6 =	rddreg [dreg:$0x1e];
	[sflag:s11] =	ssyncadd.s32 $0xFFFFE000  }
0x52: {  	[spmem:s6] =	stream.linear.scatter [tilespmem:s9], [sflag:$0x6], $0x2000, $0x38;
	[tilespmem:$0x1E000] =	vst v63  }
0x53: {  	_ =	swait.ge [sflag:s11], $0x2000  }
0x54: {  	[sflag:s11] =	ssyncset.done $0x0  }
0x55: {  	s7 =	rddreg [dreg:$0x1f];
	[sflag:s11] =	ssyncadd.s32 $0xFFFFE000  }
0x56: {  	[spmem:s7] =	stream.linear.scatter [tilespmem:s9], [sflag:$0x6], $0x2000, $0x38;
	[tilespmem:$0x1E000] =	vst v63  }
0x57: {  	_ =	swait.ge [sflag:s11], $0x2000  }
0x58: {  	[sflag:s11] =	ssyncset.done $0x0  }
0x59: {  	[sflag:s11] =	ssyncadd.s32 $0xFFFFE000  }
0x5a: {  	[spmem:s8] =	stream.linear.scatter [tilespmem:s9], [sflag:$0x6], $0x2000, $0x38;
	[tilespmem:$0x1E000] =	vst v63  }
0x5b: {  	_ =	swait.ge [sflag:s11], $0x2000  }
0x5c: {  	[sflag:s11] =	ssyncset.done $0x0  }
0x5d: {  	[sflag:s11] =	ssyncadd.s32 $0xFFFFE000  }
0x5e: {  	s4 =	simm.s32 $0x0;
	[bflag:$0x0] =	sbarrier.arrive $0xFFFF  }
.LBB2_2:
0x5f: {  	s5 =	sshll.u32 s4, $0xC  }
0x60: {  	s5 =	sadd.s32 s19, s5  }
0x61: {  	s5 =	sshrl.u32 s5, $0x3  }
0x62: {  	s7 =	simm.s32 $0x0;
	s6 =	sadd.s32 s15, s5  }
0x63: {  	[tilespmem:s7], [sflag:$0x6] =	stream.linear.gather [hbm4b:s6+s7], $0x1000, $0x38;
	[tilespmem:$0x1E000] =	vst v63  }
0x64: {  	_ =	swait.ge [sflag:s11], $0x1000  }
0x65: {  	[sflag:s11] =	ssyncset.done $0x0  }
0x66: {  	s5 =	sadd.s32 s16, s5;
	[sflag:s11] =	ssyncadd.s32 $0xFFFFF000  }
0x67: {  	[tilespmem:s12], [sflag:$0x6] =	stream.linear.gather [hbm4b:s5+s7], $0x1000, $0x38;
	[tilespmem:$0x1E000] =	vst v63  }
0x68: {  	_ =	swait.ge [sflag:s11], $0x1000  }
0x69: {  	[sflag:s11] =	ssyncset.done $0x0  }
0x6a: {  	[sflag:s11] =	ssyncadd.s32 $0xFFFFF000  }
0x6b: {  	[tilespmem:s9], [sflag:$0x1] =	stream.indirect.gather [hbm4b:s14+s13], $0x80, s7, s13, $0xb8;
	[tilespmem:$0x1E000] =	vst v63  }
0x6c: {  	_ = 	snop  }
0x6d: {  	[tilespmem:s20], [sflag:$0x2] =	stream.indirect.gather [hbm4b:s14+s13], $0x80, s17, s13, $0xb8;
	[tilespmem:$0x1E000] =	vst v63  }
0x6e: {  	_ = 	snop  }
0x6f: {  	[tilespmem:s22], [sflag:$0x3] =	stream.indirect.gather [hbm4b:s14+s13], $0x80, s21, s13, $0xb8;
	[tilespmem:$0x1E000] =	vst v63  }
0x70: {  	_ = 	snop  }
0x71: {  	[tilespmem:s24], [sflag:$0x4] =	stream.indirect.gather [hbm4b:s14+s13], $0x80, s23, s13, $0xb8;
	[tilespmem:$0x1E000] =	vst v63  }
0x72: {  	_ =	swait.ge [sflag:s25], $0x2000  }
0x73: {  	[sflag:s25] =	ssyncset.done $0x0  }
0x74: {  	[sflag:s25] =	ssyncadd.s32 $0xFFFFE000  }
0x75: {  	[spmem:s1] =	stream.indirect.scatter.add.f32 [tilespmem:s9], [sflag:$0x5], $0x80, s12, s13, $0xb8;
	[tilespmem:$0x1E000] =	vst v63  }
0x76: {  	_ =	swait.ge [sflag:s26], $0x2000  }
0x77: {  	[sflag:s26] =	ssyncset.done $0x0  }
0x78: {  	[sflag:s26] =	ssyncadd.s32 $0xFFFFE000  }
0x79: {  	[spmem:s1] =	stream.indirect.scatter.add.f32 [tilespmem:s20], [sflag:$0x5], $0x80, s28, s13, $0xb8;
	[tilespmem:$0x1E000] =	vst v63  }
0x7a: {  	_ =	swait.ge [sflag:s29], $0x2000  }
0x7b: {  	[sflag:s29] =	ssyncset.done $0x0  }
0x7c: {  	[sflag:s29] =	ssyncadd.s32 $0xFFFFE000  }
0x7d: {  	[spmem:s1] =	stream.indirect.scatter.add.f32 [tilespmem:s22], [sflag:$0x5], $0x80, s30, s13, $0xb8;
	[tilespmem:$0x1E000] =	vst v63  }
0x7e: {  	_ =	swait.ge [sflag:s31], $0x2000  }
0x7f: {  	[sflag:s31] =	ssyncset.done $0x0  }
0x80: {  	[sflag:s31] =	ssyncadd.s32 $0xFFFFE000  }
0x81: {  	[spmem:s1] =	stream.indirect.scatter.add.f32 [tilespmem:s24], [sflag:$0x5], $0x80, s10, s13, $0xb8;
	[tilespmem:$0x1E000] =	vst v63  }
0x82: {  	_ =	swait.ge [sflag:s0], $0x2000  }
0x83: {  	[sflag:s0] =	ssyncset.done $0x0  }
0x84: {  	[sflag:s0] =	ssyncadd.s32 $0xFFFFE000  }
0x85: {  	_ =	swait.ge [sflag:s0], $0x2000  }
0x86: {  	[sflag:s0] =	ssyncset.done $0x0  }
0x87: {  	[sflag:s0] =	ssyncadd.s32 $0xFFFFE000  }
0x88: {  	_ =	swait.ge [sflag:s0], $0x2000  }
0x89: {  	[sflag:s0] =	ssyncset.done $0x0  }
0x8a: {  	[sflag:s0] =	ssyncadd.s32 $0xFFFFE000  }
0x8b: {  	_ =	swait.ge [sflag:s0], $0x2000  }
0x8c: {  	[sflag:s0] =	ssyncset.done $0x0  }
0x8d: {  	s7 =	simm.s32 $0x200;
	[sflag:s0] =	ssyncadd.s32 $0xFFFFE000  }
0x8e: {  	[tilespmem:s9], [sflag:$0x1] =	stream.indirect.gather [hbm4b:s14+s13], $0x80, s7, s13, $0xb8;
	[tilespmem:$0x1E000] =	vst v63  }
0x8f: {  	s6 =	simm.s32 $0x280  }
0x90: {  	[tilespmem:s20], [sflag:$0x2] =	stream.indirect.gather [hbm4b:s14+s13], $0x80, s6, s13, $0xb8;
	[tilespmem:$0x1E000] =	vst v63  }
0x91: {  	s7 =	simm.s32 $0x300  }
0x92: {  	[tilespmem:s22], [sflag:$0x3] =	stream.indirect.gather [hbm4b:s14+s13], $0x80, s7, s13, $0xb8;
	[tilespmem:$0x1E000] =	vst v63  }
0x93: {  	s6 =	simm.s32 $0x380  }
0x94: {  	[tilespmem:s24], [sflag:$0x4] =	stream.indirect.gather [hbm4b:s14+s13], $0x80, s6, s13, $0xb8;
	[tilespmem:$0x1E000] =	vst v63  }
0x95: {  	_ =	swait.ge [sflag:s25], $0x2000  }
0x96: {  	[sflag:s25] =	ssyncset.done $0x0  }
0x97: {  	s7 =	simm.s32 $0x1200;
	[sflag:s25] =	ssyncadd.s32 $0xFFFFE000  }
0x98: {  	[spmem:s1] =	stream.indirect.scatter.add.f32 [tilespmem:s9], [sflag:$0x5], $0x80, s7, s13, $0xb8;
	[tilespmem:$0x1E000] =	vst v63  }
0x99: {  	_ =	swait.ge [sflag:s26], $0x2000  }
0x9a: {  	[sflag:s26] =	ssyncset.done $0x0  }
0x9b: {  	s6 =	simm.s32 $0x1280;
	[sflag:s26] =	ssyncadd.s32 $0xFFFFE000  }
0x9c: {  	[spmem:s1] =	stream.indirect.scatter.add.f32 [tilespmem:s20], [sflag:$0x5], $0x80, s6, s13, $0xb8;
	[tilespmem:$0x1E000] =	vst v63  }
0x9d: {  	_ =	swait.ge [sflag:s29], $0x2000  }
0x9e: {  	[sflag:s29] =	ssyncset.done $0x0  }
0x9f: {  	s7 =	simm.s32 $0x1300;
	[sflag:s29] =	ssyncadd.s32 $0xFFFFE000  }
0xa0: {  	[spmem:s1] =	stream.indirect.scatter.add.f32 [tilespmem:s22], [sflag:$0x5], $0x80, s7, s13, $0xb8;
	[tilespmem:$0x1E000] =	vst v63  }
0xa1: {  	_ =	swait.ge [sflag:s31], $0x2000  }
0xa2: {  	[sflag:s31] =	ssyncset.done $0x0  }
0xa3: {  	s5 =	simm.s32 $0x800;
	s6 =	simm.s32 $0x1380;
	[sflag:s31] =	ssyncadd.s32 $0xFFFFE000  }
.LBB2_3:
0xa4: {  	[spmem:s1] =	stream.indirect.scatter.add.f32 [tilespmem:s24], [sflag:$0x5], $0x80, s6, s13, $0xb8;
	[tilespmem:$0x1E000] =	vst v63  }
0xa5: {  	s6 =	smov.u32 s5  }
0xa6: {  	p0 =	sne.s32 s5, $0x3000;
	s5 =	sadd.s32 $0x800, s5;
	_ =	swait.ge [sflag:s0], $0x2000  }
0xa7: {  	[sflag:s0] =	ssyncset.done $0x0  }
0xa8: {  	[sflag:s0] =	ssyncadd.s32 $0xFFFFE000  }
0xa9: {  	_ =	swait.ge [sflag:s0], $0x2000  }
0xaa: {  	[sflag:s0] =	ssyncset.done $0x0  }
0xab: {  	[sflag:s0] =	ssyncadd.s32 $0xFFFFE000  }
0xac: {  	_ =	swait.ge [sflag:s0], $0x2000  }
0xad: {  	[sflag:s0] =	ssyncset.done $0x0  }
0xae: {  	[sflag:s0] =	ssyncadd.s32 $0xFFFFE000  }
0xaf: {  	_ =	swait.ge [sflag:s0], $0x2000  }
0xb0: {  	s6 =	sshra.s32 s6, $0x2;
	[sflag:s0] =	ssyncset.done $0x0  }
0xb1: {  	s7 =	sadd.s32 $0x200, s6;
	[sflag:s0] =	ssyncadd.s32 $0xFFFFE000  }
0xb2: {  	[tilespmem:s9], [sflag:$0x1] =	stream.indirect.gather [hbm4b:s14+s13], $0x80, s7, s13, $0xb8;
	[tilespmem:$0x1E000] =	vst v63  }
0xb3: {  	s7 =	sadd.s32 $0x280, s6  }
0xb4: {  	[tilespmem:s20], [sflag:$0x2] =	stream.indirect.gather [hbm4b:s14+s13], $0x80, s7, s13, $0xb8;
	[tilespmem:$0x1E000] =	vst v63  }
0xb5: {  	s7 =	sadd.s32 $0x300, s6  }
0xb6: {  	[tilespmem:s22], [sflag:$0x3] =	stream.indirect.gather [hbm4b:s14+s13], $0x80, s7, s13, $0xb8;
	[tilespmem:$0x1E000] =	vst v63  }
0xb7: {  	s7 =	sadd.s32 $0x380, s6  }
0xb8: {  	[tilespmem:s24], [sflag:$0x4] =	stream.indirect.gather [hbm4b:s14+s13], $0x80, s7, s13, $0xb8;
	[tilespmem:$0x1E000] =	vst v63  }
0xb9: {  	_ =	swait.ge [sflag:s25], $0x2000  }
0xba: {  	[sflag:s25] =	ssyncset.done $0x0  }
0xbb: {  	s7 =	sadd.s32 $0x1200, s6;
	[sflag:s25] =	ssyncadd.s32 $0xFFFFE000  }
0xbc: {  	[spmem:s1] =	stream.indirect.scatter.add.f32 [tilespmem:s9], [sflag:$0x5], $0x80, s7, s13, $0xb8;
	[tilespmem:$0x1E000] =	vst v63  }
0xbd: {  	_ =	swait.ge [sflag:s26], $0x2000  }
0xbe: {  	[sflag:s26] =	ssyncset.done $0x0  }
0xbf: {  	s7 =	sadd.s32 $0x1280, s6;
	[sflag:s26] =	ssyncadd.s32 $0xFFFFE000  }
0xc0: {  	[spmem:s1] =	stream.indirect.scatter.add.f32 [tilespmem:s20], [sflag:$0x5], $0x80, s7, s13, $0xb8;
	[tilespmem:$0x1E000] =	vst v63  }
0xc1: {  	_ =	swait.ge [sflag:s29], $0x2000  }
0xc2: {  	[sflag:s29] =	ssyncset.done $0x0  }
.Ltmp0:
0xc3: {  	s7 =	sadd.s32 $0x1300, s6;
	[sflag:s29] =	ssyncadd.s32 $0xFFFFE000;
	(pc) =	sbr.rel @p0 .LBB2_3-.Ltmp0, $4  }
0xc4: {  	[spmem:s1] =	stream.indirect.scatter.add.f32 [tilespmem:s22], [sflag:$0x5], $0x80, s7, s13, $0xb8;
	[tilespmem:$0x1E000] =	vst v63  }
0xc5: {  	_ =	swait.ge [sflag:s31], $0x2000  }
0xc6: {  	[sflag:s31] =	ssyncset.done $0x0  }
0xc7: {  	s6 =	sadd.s32 $0x1380, s6;
	[sflag:s31] =	ssyncadd.s32 $0xFFFFE000  }
0xc8: {  	[spmem:s1] =	stream.indirect.scatter.add.f32 [tilespmem:s24], [sflag:$0x5], $0x80, s6, s13, $0xb8;
	[tilespmem:$0x1E000] =	vst v63  }
0xc9: {  	_ =	swait.ge [sflag:s0], $0x2000  }
0xca: {  	[sflag:s0] =	ssyncset.done $0x0  }
0xcb: {  	[sflag:s0] =	ssyncadd.s32 $0xFFFFE000  }
0xcc: {  	_ =	swait.ge [sflag:s0], $0x2000  }
0xcd: {  	[sflag:s0] =	ssyncset.done $0x0  }
0xce: {  	s4 =	sadd.s32 $0x1, s4;
	[sflag:s0] =	ssyncadd.s32 $0xFFFFE000  }
0xcf: {  	p0 =	sne.s32 s4, $0x5;
	_ =	swait.ge [sflag:s0], $0x2000  }
.Ltmp1:
0xd0: {  	[sflag:s0] =	ssyncset.done $0x0;
	(pc) =	sbr.rel @p0 .LBB2_2-.Ltmp1, $4  }
0xd1: {  	[sflag:s0] =	ssyncadd.s32 $0xFFFFE000  }
0xd2: {  	_ =	swait.ge [sflag:s0], $0x2000  }
0xd3: {  	[sflag:s0] =	ssyncset.done $0x0  }
0xd4: {  	[sflag:s0] =	ssyncadd.s32 $0xFFFFE000  }
0xd5: {  	[bflag:$0x0] =	sbarrier.arrive $0xFFFF  }
0xd6: {  	[tilespmem:s9], [sflag:$0x6] =	stream.linear.gather [spmem:s18], $0x2000, $0x38;
	[tilespmem:$0x1E000] =	vst v63  }
0xd7: {  	_ =	swait.ge [sflag:s11], $0x2000  }
0xd8: {  	[sflag:s11] =	ssyncset.done $0x0  }
0xd9: {  	s4 =	rddreg [dreg:$0x3];
	[sflag:s11] =	ssyncadd.s32 $0xFFFFE000  }
0xda: {  	[hbm4b:s4+s2] =	stream.linear.scatter [tilespmem:s9], [sflag:$0x6], $0x2000, $0x38;
	[tilespmem:$0x1E000] =	vst v63  }
0xdb: {  	_ =	swait.ge [sflag:s11], $0x2000  }
0xdc: {  	[sflag:s11] =	ssyncset.done $0x0  }
0xdd: {  	s7 =	rddreg [dreg:$0xf];
	[sflag:s11] =	ssyncadd.s32 $0xFFFFE000  }
0xde: {  	[tilespmem:s9], [sflag:$0x6] =	stream.linear.gather [spmem:s7], $0x2000, $0x38;
	[tilespmem:$0x1E000] =	vst v63  }
0xdf: {  	_ =	swait.ge [sflag:s11], $0x2000  }
0xe0: {  	[sflag:s11] =	ssyncset.done $0x0  }
0xe1: {  	s5 =	rddreg [dreg:$0x4];
	[sflag:s11] =	ssyncadd.s32 $0xFFFFE000  }
0xe2: {  	[hbm4b:s5+s2] =	stream.linear.scatter [tilespmem:s9], [sflag:$0x6], $0x2000, $0x38;
	[tilespmem:$0x1E000] =	vst v63  }
0xe3: {  	_ =	swait.ge [sflag:s11], $0x2000  }
0xe4: {  	[sflag:s11] =	ssyncset.done $0x0  }
0xe5: {  	s6 =	rddreg [dreg:$0x10];
	[sflag:s11] =	ssyncadd.s32 $0xFFFFE000  }
0xe6: {  	[tilespmem:s9], [sflag:$0x6] =	stream.linear.gather [spmem:s6], $0x2000, $0x38;
	[tilespmem:$0x1E000] =	vst v63  }
0xe7: {  	_ =	swait.ge [sflag:s11], $0x2000  }
0xe8: {  	[sflag:s11] =	ssyncset.done $0x0  }
0xe9: {  	s7 =	rddreg [dreg:$0x5];
	[sflag:s11] =	ssyncadd.s32 $0xFFFFE000  }
0xea: {  	[hbm4b:s7+s2] =	stream.linear.scatter [tilespmem:s9], [sflag:$0x6], $0x2000, $0x38;
	[tilespmem:$0x1E000] =	vst v63  }
0xeb: {  	_ =	swait.ge [sflag:s11], $0x2000  }
0xec: {  	[sflag:s11] =	ssyncset.done $0x0  }
0xed: {  	s5 =	rddreg [dreg:$0x11];
	[sflag:s11] =	ssyncadd.s32 $0xFFFFE000  }
0xee: {  	[tilespmem:s9], [sflag:$0x6] =	stream.linear.gather [spmem:s5], $0x2000, $0x38;
	[tilespmem:$0x1E000] =	vst v63  }
0xef: {  	_ =	swait.ge [sflag:s11], $0x2000  }
0xf0: {  	[sflag:s11] =	ssyncset.done $0x0  }
0xf1: {  	s6 =	rddreg [dreg:$0x6];
	[sflag:s11] =	ssyncadd.s32 $0xFFFFE000  }
0xf2: {  	[hbm4b:s6+s2] =	stream.linear.scatter [tilespmem:s9], [sflag:$0x6], $0x2000, $0x38;
	[tilespmem:$0x1E000] =	vst v63  }
0xf3: {  	_ =	swait.ge [sflag:s11], $0x2000  }
0xf4: {  	[sflag:s11] =	ssyncset.done $0x0  }
0xf5: {  	s7 =	rddreg [dreg:$0x12];
	[sflag:s11] =	ssyncadd.s32 $0xFFFFE000  }
0xf6: {  	[tilespmem:s9], [sflag:$0x6] =	stream.linear.gather [spmem:s7], $0x2000, $0x38;
	[tilespmem:$0x1E000] =	vst v63  }
0xf7: {  	_ =	swait.ge [sflag:s11], $0x2000  }
0xf8: {  	[sflag:s11] =	ssyncset.done $0x0  }
0xf9: {  	s5 =	rddreg [dreg:$0x7];
	[sflag:s11] =	ssyncadd.s32 $0xFFFFE000  }
0xfa: {  	[hbm4b:s5+s2] =	stream.linear.scatter [tilespmem:s9], [sflag:$0x6], $0x2000, $0x38;
	[tilespmem:$0x1E000] =	vst v63  }
0xfb: {  	_ =	swait.ge [sflag:s11], $0x2000  }
0xfc: {  	[sflag:s11] =	ssyncset.done $0x0  }
0xfd: {  	s6 =	rddreg [dreg:$0x13];
	[sflag:s11] =	ssyncadd.s32 $0xFFFFE000  }
0xfe: {  	[tilespmem:s9], [sflag:$0x6] =	stream.linear.gather [spmem:s6], $0x2000, $0x38;
	[tilespmem:$0x1E000] =	vst v63  }
0xff: {  	_ =	swait.ge [sflag:s11], $0x2000  }
0x100: {  	[sflag:s11] =	ssyncset.done $0x0  }
0x101: {  	s7 =	rddreg [dreg:$0x8];
	[sflag:s11] =	ssyncadd.s32 $0xFFFFE000  }
0x102: {  	[hbm4b:s7+s2] =	stream.linear.scatter [tilespmem:s9], [sflag:$0x6], $0x2000, $0x38;
	[tilespmem:$0x1E000] =	vst v63  }
0x103: {  	_ =	swait.ge [sflag:s11], $0x2000  }
0x104: {  	[sflag:s11] =	ssyncset.done $0x0  }
0x105: {  	s5 =	rddreg [dreg:$0x14];
	[sflag:s11] =	ssyncadd.s32 $0xFFFFE000  }
0x106: {  	[tilespmem:s9], [sflag:$0x6] =	stream.linear.gather [spmem:s5], $0x2000, $0x38;
	[tilespmem:$0x1E000] =	vst v63  }
0x107: {  	_ =	swait.ge [sflag:s11], $0x2000  }
0x108: {  	[sflag:s11] =	ssyncset.done $0x0  }
0x109: {  	s6 =	rddreg [dreg:$0x9];
	[sflag:s11] =	ssyncadd.s32 $0xFFFFE000  }
0x10a: {  	[hbm4b:s6+s2] =	stream.linear.scatter [tilespmem:s9], [sflag:$0x6], $0x2000, $0x38;
	[tilespmem:$0x1E000] =	vst v63  }
0x10b: {  	_ =	swait.ge [sflag:s11], $0x2000  }
0x10c: {  	[sflag:s11] =	ssyncset.done $0x0  }
0x10d: {  	s7 =	rddreg [dreg:$0x15];
	[sflag:s11] =	ssyncadd.s32 $0xFFFFE000  }
0x10e: {  	[tilespmem:s9], [sflag:$0x6] =	stream.linear.gather [spmem:s7], $0x2000, $0x38;
	[tilespmem:$0x1E000] =	vst v63  }
0x10f: {  	_ =	swait.ge [sflag:s11], $0x2000  }
0x110: {  	[sflag:s11] =	ssyncset.done $0x0  }
0x111: {  	s5 =	rddreg [dreg:$0xa];
	[sflag:s11] =	ssyncadd.s32 $0xFFFFE000  }
0x112: {  	[hbm4b:s5+s2] =	stream.linear.scatter [tilespmem:s9], [sflag:$0x6], $0x2000, $0x38;
	[tilespmem:$0x1E000] =	vst v63  }
0x113: {  	_ =	swait.ge [sflag:s11], $0x2000  }
0x114: {  	[sflag:s11] =	ssyncset.done $0x0  }
0x115: {  	s6 =	rddreg [dreg:$0x16];
	[sflag:s11] =	ssyncadd.s32 $0xFFFFE000  }
0x116: {  	[tilespmem:s9], [sflag:$0x6] =	stream.linear.gather [spmem:s6], $0x2000, $0x38;
	[tilespmem:$0x1E000] =	vst v63  }
0x117: {  	_ =	swait.ge [sflag:s11], $0x2000  }
0x118: {  	[sflag:s11] =	ssyncset.done $0x0  }
0x119: {  	s7 =	rddreg [dreg:$0xb];
	[sflag:s11] =	ssyncadd.s32 $0xFFFFE000  }
0x11a: {  	[hbm4b:s7+s2] =	stream.linear.scatter [tilespmem:s9], [sflag:$0x6], $0x2000, $0x38;
	[tilespmem:$0x1E000] =	vst v63  }
0x11b: {  	_ =	swait.ge [sflag:s11], $0x2000  }
0x11c: {  	[sflag:s11] =	ssyncset.done $0x0  }
0x11d: {  	s5 =	rddreg [dreg:$0x17];
	[sflag:s11] =	ssyncadd.s32 $0xFFFFE000  }
0x11e: {  	[tilespmem:s9], [sflag:$0x6] =	stream.linear.gather [spmem:s5], $0x2000, $0x38;
	[tilespmem:$0x1E000] =	vst v63  }
0x11f: {  	_ =	swait.ge [sflag:s11], $0x2000  }
0x120: {  	[sflag:s11] =	ssyncset.done $0x0  }
0x121: {  	s6 =	rddreg [dreg:$0xc];
	[sflag:s11] =	ssyncadd.s32 $0xFFFFE000  }
0x122: {  	[hbm4b:s6+s2] =	stream.linear.scatter [tilespmem:s9], [sflag:$0x6], $0x2000, $0x38;
	[tilespmem:$0x1E000] =	vst v63  }
0x123: {  	_ =	swait.ge [sflag:s11], $0x2000  }
0x124: {  	s3 =	sadd.s32 $0x1, s3;
	s7 =	rddreg [dreg:$0xe]  }
0x125: {  	p0 =	sne.s32 s3, s7  }
.Ltmp2:
0x126: {  	_ = 	snop;
	(pc) =	sbr.rel @p0 .LBB2_1-.Ltmp2, $3  }
0x127: {  	_ =	sdelay $0x1  }
0x128: {  	[sflag:s11] =	ssyncset.done $0x0  }
0x129: {  	[sflag:s11] =	ssyncadd.s32 $0xFFFFE000  }
0x12a: {  	_ =	sfence.sel $0x180000  }
0x12b: {  	[bflag:$0x0] =	sbarrier.arrive $0xFFFF  }
0x12c: {  	_ =	strace $0x9000004D  }
0x12d: {  	s0 =	stileid.u32;
	[bflag:$0x2] =	sbarrier.arrive $0xFFFF  }
0x12e: {  	p0 =	sne.s32 s0, $0x0;
	s0 =	rddreg [dreg:$0x2]  }
0x12f: {  	s0 =	sadd.s32 @!p0 $0x100000, s0  }
0x130: {  	[sflag:s0] =	ssyncadd.tile.s32 @!p0 $0x1;
	_ =	shalt  }
.Lfunc_end2:
_tile_overlayer_lowered:
.L_overlay_start_2:
0x131: {  	(tag) =	ssettag $0x2  }
0x132: {  	s0 =	rddreg [dreg:$0x0];
	s2 =	stileid.u32  }
0x133: {  	s1 =	rddreg [dreg:$0x1];
	p0 =	sne.s32 s2, $0x0  }
0x134: {  	s3 =	rddreg [dreg:$0x2];
	[bflag:$0x3] =	sbarrier.arrive $0xFFFF;
	s2 =	simm.s32 @!p0 $0x1C06  }
0x135: {  	[timem:s3], [sflag:s2] =	dma.local @!p0 [hbm:s0], s1  }
0x136: {  	s0 =	simm.s32 @!p0 $0x6  }
0x137: {  	_ =	swait.ge @!p0 [sflag:s0], s1  }
0x138: {  	s1 =	ssub.s32 @!p0 $0x0, s1;
	[sflag:s0] =	ssyncset.done @!p0 $0x0  }
0x139: {  	[sflag:s0] =	ssyncadd.s32 @!p0 s1  }
0x13a: {  	[bflag:$0x3] =	sbarrier.arrive $0xFFFF  }
0x13b: {  	_ =	shalt  }

// kernel: kernel.7.cloned.1.call-start
scs
__scs_entry_jumppad:
0x0: {  	(pc) =	sbr.rel $0x88, $3  }
0x1: {  	(tag) =	ssettag $0x0;
	lr =	simm.s32 $0x1  }
0x2: {  	[smem:$0x3F9F] =	sst lr;
	_ =	strace $0xD0000000  }
0x3: {  	_ = 	snop  }
0x4: {  	_ = 	snop  }
0x5: {  	_ = 	snop  }
0x6: {  	_ = 	snop  }
0x7: {  	_ = 	snop  }
__scs_overlays_trampoline_lowered:
0x8: {  	[smem:$0x3FAE] =	sst s0  }
0x9: {  	[smem:$0x3FAF] =	sst s1  }
0xa: {  	[smem:$0x3FB0] =	sst s2  }
0xb: {  	[smem:$0x3FB1] =	sst s3  }
0xc: {  	[smem:$0x3FB2] =	sst s4  }
0xd: {  	[smem:$0x3FB3] =	sst s5  }
0xe: {  	[smem:$0x3FB4] =	sst s6  }
0xf: {  	[smem:$0x3FB5] =	sst s7  }
0x10: {  	[smem:$0x3FB6] =	sst s8  }
0x11: {  	[smem:$0x3FB7] =	sst s9;
	s0 =	simm.s32 @!p0 $0x0  }
0x12: {  	s1 =	sld [smem:$0x3F9D];
	s0 =	simm.s32 @p0 $0x1  }
0x13: {  	[smem:$0x3FB8] =	sst s0;
	s0 =	simm.s32 @!p1 $0x0  }
0x14: {  	s2 =	sld [smem:$0x3F9C];
	s0 =	simm.s32 @p1 $0x1  }
0x15: {  	[smem:$0x3FB9] =	sst s0;
	s0 =	simm.s32 @!p2 $0x0  }
0x16: {  	s3 =	sld [smem:$0x3FDB];
	s0 =	simm.s32 @p2 $0x1  }
0x17: {  	s4 =	simm.s32 $0x1BF5;
	[smem:$0x3FBB] =	sst s0  }
0x18: {  	s0 =	sld [smem:$0x3F9E];
	_ =	swait.ge [sflag:s4], $0x0  }
0x19: {  	s7 =	sld [smem:$0x3F9F]  }
0x1a: {  	s8 =	sadd.s32 $0xFFFFE003, lr  }
0x1b: {  	s9 =	sadd.s32 $0xFFFFFEF7, lr;
	s5 =	simm.s32 $0xFFFFFFFF;
	p2 =	slt.u32 s8, $0xFFFFF086  }
0x1c: {  	p1 =	slt.u32 s9, $0xF7A;
	s5 =	simm.s32 @!p2 $0x0  }
0x1d: {  	s5 =	simm.s32 @p1 $0x1;
	p0 =	seq.s32 s7, s2  }
0x1e: {  	s7 =	smul.u32 @!p0 $0xF7A, s2;
	p2 =	seq.s32 @!p0 s5, $0x0  }
0x1f: {  	s9 =	smul.u32 $0xF7A, s1;
	s8 =	simm.s32 @!p0 $0x1BF5;
	p2 =	por !p2, p0  }
0x20: {  	[sflag:s8] =	ssyncset.s32 @!p0 $0xFFFFF086;
	s6 =	sadd.s32 @!p0 s3, s7;
	s7 =	simm.s32 @!p0 $0x108  }
0x21: {  	s3 =	sadd.s32 s3, s9;
	s6 =	sadd.s32 @!p0 $0x88, s6;
	s7 =	simm.s32 @p2 $0x1082  }
0x22: {  	[simem:s7], [sflag:s8] =	dma.local @!p0 [hbm:s6], $0xF7A  }
0x23: {  	s9 =	sor.u32 $0xD0000000, s2;
	s6 =	simm.s32 $0x108;
	_ =	swait.ge @!p0 [sflag:s8], $0x0  }
0x24: {  	s3 =	sadd.s32 $0x88, s3;
	s6 =	simm.s32 @!p1 $0x1082;
	[sflag:s4] =	ssyncset.s32 $0xFFFFF086  }
0x25: {  	[simem:s6], [sflag:s4] =	dma.local [hbm:s3], $0xF7A  }
0x26: {  	[smem:$0x3F9F] =	sst s1;
	(tag) =	ssettag s2;
	_ =	strace s9  }
0x27: {  	s1 =	sld [smem:$0x3FAF]  }
0x28: {  	s2 =	sld [smem:$0x3FB0]  }
0x29: {  	s4 =	sld [smem:$0x3FB2]  }
0x2a: {  	p0 =	seq.s32 s5, $0x0;
	s5 =	sld [smem:$0x3FB3]  }
0x2b: {  	s6 =	sld [smem:$0x3FB4]  }
0x2c: {  	s7 =	sld [smem:$0x3FB5]  }
0x2d: {  	s3 =	simm.s32 $0x108;
	s8 =	sld [smem:$0x3FB6]  }
0x2e: {  	s3 =	simm.s32 @!p0 $0x1082;
	s9 =	sld [smem:$0x3FB7]  }
0x2f: {  	lr =	sadd.s32 s0, s3;
	s0 =	sld [smem:$0x3FAE]  }
0x30: {  	s3 =	sld [smem:$0x3FB1]  }
0x31: {  	[smem:$0x3FBA] =	sst s10  }
0x32: {  	s10 =	sld [smem:$0x3FB8];
	_ =	sdelay $0x3  }
0x33: {  	p0 =	seq.s32 s10, $0x1;
	s10 =	sld [smem:$0x3FBA];
	_ =	sdelay $0x3  }
0x34: {  	[smem:$0x3FBA] =	sst s10  }
0x35: {  	s10 =	sld [smem:$0x3FB9];
	_ =	sdelay $0x3  }
0x36: {  	p1 =	seq.s32 s10, $0x1;
	s10 =	sld [smem:$0x3FBA];
	_ =	sdelay $0x3  }
0x37: {  	[smem:$0x3FBA] =	sst s10  }
0x38: {  	s10 =	sld [smem:$0x3FBB]  }
0x39: {  	_ = 	snop;
	(pc) =	sbr.ind lr, $3  }
0x3a: {  	_ = 	snop  }
0x3b: {  	_ = 	snop  }
0x3c: {  	p2 =	seq.s32 s10, $0x1;
	s10 =	sld [smem:$0x3FBA]  }
0x3d: {  	_ =	shalt  }
0x3e: {  	_ =	shalt  }
0x3f: {  	_ =	shalt  }
0x40: {  	_ =	shalt  }
0x41: {  	_ =	shalt  }
0x42: {  	_ =	shalt  }
0x43: {  	_ =	shalt  }
0x44: {  	_ =	shalt  }
0x45: {  	_ =	shalt  }
0x46: {  	_ =	shalt  }
0x47: {  	_ =	shalt  }
0x48: {  	_ =	shalt  }
0x49: {  	_ =	shalt  }
0x4a: {  	_ =	shalt  }
0x4b: {  	_ =	shalt  }
0x4c: {  	_ =	shalt  }
0x4d: {  	_ =	shalt  }
0x4e: {  	_ =	shalt  }
0x4f: {  	_ =	shalt  }
0x50: {  	_ =	shalt  }
0x51: {  	_ =	shalt  }
0x52: {  	_ =	shalt  }
0x53: {  	_ =	shalt  }
0x54: {  	_ =	shalt  }
0x55: {  	_ =	shalt  }
0x56: {  	_ =	shalt  }
0x57: {  	_ =	shalt  }
0x58: {  	_ =	shalt  }
0x59: {  	_ =	shalt  }
0x5a: {  	_ =	shalt  }
0x5b: {  	_ =	shalt  }
0x5c: {  	_ =	shalt  }
0x5d: {  	_ =	shalt  }
0x5e: {  	_ =	shalt  }
0x5f: {  	_ =	shalt  }
0x60: {  	_ =	shalt  }
0x61: {  	_ =	shalt  }
0x62: {  	_ =	shalt  }
0x63: {  	_ =	shalt  }
0x64: {  	_ =	shalt  }
0x65: {  	_ =	shalt  }
0x66: {  	_ =	shalt  }
0x67: {  	_ =	shalt  }
0x68: {  	_ =	shalt  }
0x69: {  	_ =	shalt  }
0x6a: {  	_ =	shalt  }
0x6b: {  	_ =	shalt  }
0x6c: {  	_ =	shalt  }
0x6d: {  	_ =	shalt  }
0x6e: {  	_ =	shalt  }
0x6f: {  	_ =	shalt  }
0x70: {  	_ =	shalt  }
0x71: {  	_ =	shalt  }
0x72: {  	_ =	shalt  }
0x73: {  	_ =	shalt  }
0x74: {  	_ =	shalt  }
0x75: {  	_ =	shalt  }
0x76: {  	_ =	shalt  }
0x77: {  	_ =	shalt  }
0x78: {  	_ =	shalt  }
0x79: {  	_ =	shalt  }
0x7a: {  	_ =	shalt  }
0x7b: {  	_ =	shalt  }
0x7c: {  	_ =	shalt  }
0x7d: {  	_ =	shalt  }
0x7e: {  	_ =	shalt  }
0x7f: {  	_ =	shalt  }
0x80: {  	_ =	shalt  }
0x81: {  	_ =	shalt  }
0x82: {  	_ =	shalt  }
0x83: {  	_ =	shalt  }
0x84: {  	_ =	shalt  }
0x85: {  	_ =	shalt  }
0x86: {  	_ =	shalt  }
0x87: {  	_ =	shalt  }
.Lfunc_end0:
.L_simem_size_0:
called_computation_lowered:
.L_overlay_start_0:
0x88: {  	s2 =	sld [smem:$0x3FD9]  }
0x89: {  	s3 =	sld [smem:$0x3FFE];
	_ =	sdelay $0x1  }
0x8a: {  	s1 =	srdreg.scid  }
0x8b: {  	s0 =	sand.u32 $0x1, s1  }
0x8c: {  	s16 =	sshll.u32 s0, $0xA;
	s2 =	sadd.s32 s3, s2  }
0x8d: {  	s2 =	sadd.s32 s2, s16  }
0x8e: {  	[smem:$0x3FC6] =	sst s2  }
0x8f: {  	_ = 	snop  }
0x90: {  	(tm) =	ssettm $0x1  }
0x91: {  	s17 =	sld [smem:$0x3FFB];
	_ =	sdelay $0x3  }
0x92: {  	_ =	strace s17  }
0x93: {  	s2 =	sld [smem:$0x3FFC];
	_ =	sdelay $0x3  }
0x94: {  	_ =	strace s2  }
0x95: {  	s2 =	sld [smem:$0x3FFD];
	_ =	sdelay $0x3  }
0x96: {  	_ =	strace s2  }
0x97: {  	_ =	strace $0x8FFFFFFF  }
0x98: {  	s18 =	sld [smem:$0x3FDB];
	_ =	sdelay $0x1  }
0x99: {  	s19 =	simm.s32 $_scs_section_size  }
0x9a: {  	s4 =	simm.s32 $_size__tile_overlayer_lowered;
	s5 =	simm.s32 $_tile_overlayer_lowered  }
0x9b: {  	s22 =	simm.s32 $0x1BFF;
	s21 =	sshll.u32 s5, $0x1;
	s2 =	sadd.s32 s19, s18  }
0x9c: {  	s6 =	simm.s32 $0x0;
	s20 =	sshll.u32 s4, $0x1;
	s4 =	sadd.s32 s21, s2  }
0x9d: {  	[timem:s6], [sflag:s22] =	dma.local [hbm:s4], s20  }
0x9e: {  	_ =	swait.ge [sflag:s22], s20  }
0x9f: {  	s3 =	ssub.s32 $0x0, s20;
	[sflag:s22] =	ssyncset.done $0x0  }
0xa0: {  	[sflag:s22] =	ssyncadd.s32 s3;
	_ =	sdelay $0x1  }
0xa1: {  	s23 =	simm.s32 $0x1B8B  }
0xa2: {  	_ =	swait.ge [sflag:s23], $0x1  }
0xa3: {  	[sflag:s23] =	ssyncset.done $0x0  }
0xa4: {  	s25 =	simm.s32 $0x1B8E;
	s24 =	sld [smem:$0x3FFE];
	[sflag:s23] =	ssyncadd.s32 $0xFFFFFFFF  }
0xa5: {  	s26 =	simm.s32 $execute0_lowered;
	[smem:$0x3FD2] =	sst s25  }
0xa6: {  	s4 =	sshll.u32 s26, $0x1;
	_ =	strace $0x80000046;
	[dreg:$0x1] =	wrdreg $0xFFFFFFFF  }
0xa7: {  	s28 =	simm.s32 $_size_execute0_lowered;
	s2 =	sadd.s32 s2, s4;
	[dreg:$0x0] =	wrdreg $0x0  }
0xa8: {  	s4 =	sshll.u32 s28, $0x1;
	[dreg:$0x2] =	wrdreg s2  }
0xa9: {  	[dreg:$0x3] =	wrdreg s4  }
0xaa: {  	[dreg:$0x4] =	wrdreg $0xC0  }
0xab: {  	_ =	task [dreg:s6], $0x5FFFF  }
0xac: {  	[dreg:$0x1] =	wrdreg $0xFFFFFFFF  }
0xad: {  	[dreg:$0x0] =	wrdreg $0x60  }
0xae: {  	[dreg:$0x2] =	wrdreg s24  }
0xaf: {  	[dreg:$0x3] =	wrdreg $0x9  }
0xb0: {  	_ =	task.clear_ibuf [dreg:s6], $0x4FFFF;
	_ =	strace $0x90000046  }
0xb1: {  	s29 =	simm.s32 $0x9;
	_ =	strace $0x80000048  }
0xb2: {  	_ =	swait.ge [sflag:s29], $0x1  }
0xb3: {  	[sflag:s29] =	ssyncadd.s32 $0xFFFFFFFF  }
0xb4: {  	_ =	strace $0x90000048  }
0xb5: {  	_ =	sfence  }
0xb6: {  	s30 =	sld [smem:$0x0];
	_ =	sdelay $0x2  }
0xb7: {  	s31 =	sshll.u32 s1, $0xD;
	s1 =	sshrl.u32 s1, $0x2  }
0xb8: {  	s3 =	sand.u32 $0x4000, s31;
	s1 =	sadd.s32 s1, s30  }
0xb9: {  	s0 =	sor.u32 s3, s0;
	s1 =	sshll.u32 s1, $0x11  }
0xba: {  	s0 =	sor.u32 s1, s0  }
0xbb: {  	s0 =	sadd.s32 $0x8F2B, s0  }
0xbc: {  	[sflag:s0] =	ssyncadd.remote.s32 $0x1  }
0xbd: {  	_ =	sfence.sel $0xFFFF  }
0xbe: {  	[dreg:$0x0] =	wrdreg $0xFFFFFFFF;
	(pc) =	sbr.abs _section_cstart, $3  }
0xbf: {  	[dreg:$0x1] =	wrdreg $0xFFFFFFFF  }
0xc0: {  	_ =	task.clear_ibuf [dreg:s6], $0x2FFFF;
	_ =	strace $0x9FFFFFFF  }
0xc1: {  	(tm) =	ssettm $0x7FFFFFFF  }
tec
execute0_lowered:
.L_overlay_start_1:
0x0: {  	(tag) =	ssettag $0x1  }
0x1: {  	s1 =	srdreg.scid;
	s0 =	stileid.u32  }
0x2: {  	s4 =	rddreg [dreg:$0x0];
	s2 =	simm.s32 $0x0;
	s9 =	simm.s32 $0x1  }
0x3: {  	s10 =	simm.s32 $0x2800;
	s3 =	sand.u32 $0x1, s1;
	s30 =	sshll.u32 s0, $0x1  }
0x4: {  	s11 =	simm.s32 $0x5000;
	s12 =	simm.s32 $0x7800;
	s5 =	sor.u32 s3, s30  }
0x5: {  	s1 =	rddreg [dreg:$0x1];
	s6 =	ssub.s32 $0x2, s3;
	s5 =	smul.u32 $0x500, s5  }
0x6: {  	s13 =	simm.s32 $0x0;
	[smem:$0x7FF] =	sst s2;
	s31 =	sshrl.u32 s6, $0x1  }
0x7: {  	_ =	strace $0x80000047;
	s8 =	ssub.s32 s6, s31;
	s7 =	sadd.s32 s5, s4  }
0x8: {  	s3 =	sadd.s32 $0x15600, s4;
	s8 =	smax.u32 s8, $0x1;
	s4 =	sadd.s32 $0x1600, s7  }
0x9: {  	v0 =	vimm.f32 $1.000000000e+00;
	s5 =	sadd.s32 $0xB600, s7;
	s6 =	sadd.s32 $0x15C00, s7;
	s7 =	sadd.s32 $0x1FC00, s7  }
.LBB2_1:
0xa: {  	[tilespmem:s2], [sflag:$0x1] =	stream.linear.gather [hbm4b:s4+s2], $0x2800, $0x38;
	[tilespmem:$0xA000] =	vst v63  }
0xb: {  	_ =	swait.ge [sflag:s9], $0x2800  }
0xc: {  	[sflag:s9] =	ssyncset.done $0x0  }
0xd: {  	[sflag:s9] =	ssyncadd.s32 $0xFFFFD800  }
0xe: {  	[tilespmem:s10], [sflag:$0x1] =	stream.linear.gather [hbm4b:s5+s2], $0x2800, $0x38;
	[tilespmem:$0xA000] =	vst v63  }
0xf: {  	_ =	swait.ge [sflag:s9], $0x2800  }
0x10: {  	[sflag:s9] =	ssyncset.done $0x0  }
0x11: {  	[sflag:s9] =	ssyncadd.s32 $0xFFFFD800  }
0x12: {  	[tilespmem:s11], [sflag:$0x1] =	stream.linear.gather [hbm4b:s3+s2], $0x2800, $0x38;
	[tilespmem:$0xA000] =	vst v63  }
0x13: {  	_ =	swait.ge [sflag:s9], $0x2800  }
0x14: {  	[sflag:s9] =	ssyncset.done $0x0  }
0x15: {  	[sflag:s9] =	ssyncadd.s32 $0xFFFFD800  }
0x16: {  	[tilespmem:s12], [sflag:$0x1] =	stream.linear.gather [hbm4b:s3+s2], $0x2800, $0x38;
	[tilespmem:$0xA000] =	vst v63  }
0x17: {  	_ =	swait.ge [sflag:s9], $0x2800  }
0x18: {  	[sflag:s9] =	ssyncset.done $0x0  }
0x19: {  	s14 =	simm.s32 $0x0;
	[sflag:s9] =	ssyncadd.s32 $0xFFFFD800  }
.LBB2_2:
0x1a: {  	s15 =	sshra.s32 s14, $0x2  }
0x1b: {  	v1 =	vld [tilespmem:s15+$0x0];
	_ =	sdelay $0x7  }
0x1c: {  	[tilespmem:v1+s11+$0x0] =	vst.idx.add.f32.msk $0xffff, v0  }
0x1d: {  	v1 =	vld [tilespmem:s15+$0x2800];
	_ =	sdelay $0x7  }
0x1e: {  	[tilespmem:v1+s12+$0x0] =	vst.idx.add.f32.msk $0xffff, v0  }
0x1f: {  	v1 =	vld [tilespmem:s15+$0x10];
	_ =	sdelay $0x7  }
0x20: {  	[tilespmem:v1+s11+$0x0] =	vst.idx.add.f32.msk $0xffff, v0  }
0x21: {  	v1 =	vld [tilespmem:s15+$0x2810];
	_ =	sdelay $0x7  }
0x22: {  	[tilespmem:v1+s12+$0x0] =	vst.idx.add.f32.msk $0xffff, v0  }
0x23: {  	v1 =	vld [tilespmem:s15+$0x20];
	_ =	sdelay $0x7  }
0x24: {  	[tilespmem:v1+s11+$0x0] =	vst.idx.add.f32.msk $0xffff, v0  }
0x25: {  	v1 =	vld [tilespmem:s15+$0x2820];
	_ =	sdelay $0x7  }
0x26: {  	[tilespmem:v1+s12+$0x0] =	vst.idx.add.f32.msk $0xffff, v0  }
0x27: {  	v1 =	vld [tilespmem:s15+$0x30];
	_ =	sdelay $0x7  }
0x28: {  	[tilespmem:v1+s11+$0x0] =	vst.idx.add.f32.msk $0xffff, v0  }
0x29: {  	v1 =	vld [tilespmem:s15+$0x2830];
	_ =	sdelay $0x7  }
0x2a: {  	[tilespmem:v1+s12+$0x0] =	vst.idx.add.f32.msk $0xffff, v0  }
0x2b: {  	v1 =	vld [tilespmem:s15+$0x40];
	_ =	sdelay $0x7  }
0x2c: {  	[tilespmem:v1+s11+$0x0] =	vst.idx.add.f32.msk $0xffff, v0  }
0x2d: {  	v1 =	vld [tilespmem:s15+$0x2840];
	_ =	sdelay $0x7  }
0x2e: {  	[tilespmem:v1+s12+$0x0] =	vst.idx.add.f32.msk $0xffff, v0  }
0x2f: {  	v1 =	vld [tilespmem:s15+$0x50];
	_ =	sdelay $0x7  }
0x30: {  	[tilespmem:v1+s11+$0x0] =	vst.idx.add.f32.msk $0xffff, v0  }
0x31: {  	v1 =	vld [tilespmem:s15+$0x2850];
	_ =	sdelay $0x7  }
0x32: {  	[tilespmem:v1+s12+$0x0] =	vst.idx.add.f32.msk $0xffff, v0  }
0x33: {  	v1 =	vld [tilespmem:s15+$0x60];
	_ =	sdelay $0x7  }
0x34: {  	[tilespmem:v1+s11+$0x0] =	vst.idx.add.f32.msk $0xffff, v0  }
0x35: {  	v1 =	vld [tilespmem:s15+$0x2860];
	_ =	sdelay $0x7  }
0x36: {  	[tilespmem:v1+s12+$0x0] =	vst.idx.add.f32.msk $0xffff, v0  }
0x37: {  	v1 =	vld [tilespmem:s15+$0x70];
	_ =	sdelay $0x7  }
0x38: {  	[tilespmem:v1+s11+$0x0] =	vst.idx.add.f32.msk $0xffff, v0  }
0x39: {  	v1 =	vld [tilespmem:s15+$0x2870];
	_ =	sdelay $0x2  }
0x3a: {  	p0 =	sne.s32 s14, $0x9E00  }
.Ltmp0:
0x3b: {  	_ = 	snop;
	(pc) =	sbr.rel @p0 .LBB2_2-.Ltmp0, $2  }
0x3c: {  	_ =	sdelay $0x2  }
0x3d: {  	s14 =	sadd.s32 $0x200, s14;
	[tilespmem:v1+s12+$0x0] =	vst.idx.add.f32.msk $0xffff, v0  }
0x3e: {  	[hbm4b:s6+s2] =	stream.linear.scatter [tilespmem:s11], [sflag:$0x1], $0x2800, $0x38;
	[tilespmem:$0xA000] =	vst v63  }
0x3f: {  	s13 =	sadd.s32 $0x1, s13;
	_ =	swait.ge [sflag:s9], $0x2800  }
0x40: {  	p0 =	sne.s32 s13, s8;
	[sflag:s9] =	ssyncset.done $0x0  }
.Ltmp1:
0x41: {  	[sflag:s9] =	ssyncadd.s32 $0xFFFFD800;
	(pc) =	sbr.rel @p0 .LBB2_1-.Ltmp1, $4  }
0x42: {  	[hbm4b:s7+s2] =	stream.linear.scatter [tilespmem:s12], [sflag:$0x1], $0x2800, $0x38;
	[tilespmem:$0xA000] =	vst v63  }
0x43: {  	_ =	swait.ge [sflag:s9], $0x2800  }
0x44: {  	[sflag:s9] =	ssyncset.done $0x0  }
0x45: {  	[sflag:s9] =	ssyncadd.s32 $0xFFFFD800  }
0x46: {  	_ =	sfence.sel $0x180000  }
0x47: {  	[bflag:$0x0] =	sbarrier.arrive $0xFFFF  }
0x48: {  	p0 =	sne.s32 s0, $0x0;
	_ =	strace $0x90000047  }
0x49: {  	s0 =	sadd.s32 @!p0 $0x100000, s1;
	[bflag:$0x2] =	sbarrier.arrive $0xFFFF  }
0x4a: {  	[sflag:s0] =	ssyncadd.tile.s32 @!p0 $0x1;
	_ =	shalt  }
.Lfunc_end2:
_tile_overlayer_lowered:
.L_overlay_start_2:
0x4b: {  	(tag) =	ssettag $0x2  }
0x4c: {  	s0 =	rddreg [dreg:$0x0];
	s2 =	stileid.u32  }
0x4d: {  	s1 =	rddreg [dreg:$0x1];
	p0 =	sne.s32 s2, $0x0  }
0x4e: {  	s3 =	rddreg [dreg:$0x2];
	[bflag:$0x3] =	sbarrier.arrive $0xFFFF;
	s2 =	simm.s32 @!p0 $0x1C01  }
0x4f: {  	[timem:s3], [sflag:s2] =	dma.local @!p0 [hbm:s0], s1  }
0x50: {  	s0 =	simm.s32 @!p0 $0x1  }
0x51: {  	_ =	swait.ge @!p0 [sflag:s0], s1  }
0x52: {  	s1 =	ssub.s32 @!p0 $0x0, s1;
	[sflag:s0] =	ssyncset.done @!p0 $0x0  }
0x53: {  	[sflag:s0] =	ssyncadd.s32 @!p0 s1  }
0x54: {  	[bflag:$0x3] =	sbarrier.arrive $0xFFFF  }
0x55: {  	_ =	shalt  }

</sc_bundles>
